<compile_context>
chip_gen: v7x
topology: tpu7x:2x2x1
jax: 0.10.2.dev20260603
libtpu: 0.0.44.dev20260713+nightly
codegen_flags: <defaults>
</compile_context>

<pallas_src>
import dataclasses
import functools

import jax
import jax.numpy as jnp
from jax import lax
from jax.experimental import pallas as pl
from jax.experimental.pallas import tpu as pltpu
from jax.experimental.pallas import tpu_sc as plsc

N_NODES = 10000
N_EDGES = 160000
HIDDEN = 256
HALF = 128

NC = 2
NS = 16
ACC_ROWS = 10240
E_PAD = 163840
EBLK = 64

_mesh = plsc.VectorSubcoreMesh(core_axis_name="c", subcore_axis_name="s")

_sc_params = pltpu.CompilerParams()
if "needs_layout_passes" in pltpu.CompilerParams.__dataclass_fields__:
    _sc_params = dataclasses.replace(_sc_params, needs_layout_passes=False)


def _sc_degree_hist(dstp):
    per_tile = E_PAD // (NC * NS)

    @functools.partial(
        pl.kernel,
        mesh=_mesh,
        out_type=jax.ShapeDtypeStruct((NC * NS, ACC_ROWS), jnp.float32),
        compiler_params=_sc_params,
        scratch_types=[
            pltpu.VMEM((per_tile,), jnp.int32),
            pltpu.VMEM((ACC_ROWS,), jnp.float32),
        ],
    )
    def k(dst_hbm, out_hbm, didx, hist):
        c = lax.axis_index("c")
        s = lax.axis_index("s")
        wid = s * NC + c
        pltpu.sync_copy(dst_hbm.at[pl.ds(wid * per_tile, per_tile)], didx)

        zeros = jnp.zeros((16,), jnp.float32)

        @pl.loop(0, ACC_ROWS, step=16)
        def _(i):
            hist[pl.ds(i, 16)] = zeros

        ones = jnp.ones((16,), jnp.float32)

        @pl.loop(0, per_tile, step=16)
        def _(i):
            idx = didx[pl.ds(i, 16)]
            plsc.addupdate_scatter(hist, [idx], ones)

        pltpu.sync_copy(hist, out_hbm.at[wid])

    return k(dstp)


def _tc_matmul_scale(x, W, hists):
    R = 1024
    nb = pl.cdiv(N_NODES, R)

    def body(x_ref, w_ref, h_ref, g_ref):
        h = lax.dot_general(
            x_ref[...], w_ref[...], (((1,), (0,)), ((), ())),
            preferred_element_type=jnp.float32,
            precision=lax.Precision.DEFAULT,
        )
        deg = jnp.sum(h_ref[...], axis=0) + 1.0
        dis = lax.rsqrt(deg)
        g = h * dis[:, None]
        g_ref[0] = g[:, :HALF]
        g_ref[1] = g[:, HALF:]

    return pl.pallas_call(
        body,
        grid=(nb,),
        in_specs=[
            pl.BlockSpec((R, HIDDEN), lambda i: (i, 0)),
            pl.BlockSpec((HIDDEN, HIDDEN), lambda i: (0, 0)),
            pl.BlockSpec((NC * NS, R), lambda i: (0, i)),
        ],
        out_specs=pl.BlockSpec((2, R, HALF), lambda i: (0, i, 0)),
        out_shape=jax.ShapeDtypeStruct((2, N_NODES, HALF), jnp.float32),
    )(x, W, hists)


def _sc_aggregate(gflat, src2d, dst2d):
    blk_per_tile = E_PAD // (NS * EBLK)
    rows_per_tile = ACC_ROWS // NS
    PHB = 40
    NBUF = 4
    n_phase = blk_per_tile // PHB
    assert blk_per_tile % PHB == 0 and PHB % NBUF == 0

    @functools.partial(
        pl.kernel,
        mesh=_mesh,
        out_type=jax.ShapeDtypeStruct((NC, ACC_ROWS, HALF), jnp.float32),
        scratch_types=[
            pltpu.VMEM((PHB, EBLK), jnp.int32),
            pltpu.VMEM((PHB, EBLK), jnp.int32),
            pltpu.VMEM((NBUF, EBLK, HALF), jnp.float32),
            pltpu.SemaphoreType.DMA((NBUF,)),
            pltpu.VMEM_SHARED((ACC_ROWS, HALF), jnp.float32),
        ],
    )
    def k(g_hbm, src_hbm, dst_hbm, out_hbm, sall, dall, rowsb, gsem, acc):
        c = lax.axis_index("c")
        s = lax.axis_index("s")

        zeros = jnp.zeros((16,), jnp.float32)

        @pl.loop(0, EBLK)
        def _(e):
            for kk in range(HALF // 16):
                rowsb[0, e, pl.ds(kk * 16, 16)] = zeros

        @pl.loop(0, rows_per_tile // EBLK)
        def _(q):
            pltpu.sync_copy(
                rowsb.at[0],
                acc.at[pl.ds(s * rows_per_tile + q * EBLK, EBLK)],
            )

        plsc.subcore_barrier()

        @pl.loop(0, n_phase)
        def _(p):
            row0 = s * blk_per_tile + p * PHB
            pltpu.sync_copy(src_hbm.at[c, pl.ds(row0, PHB)], sall)
            pltpu.sync_copy(dst_hbm.at[pl.ds(row0, PHB)], dall)

            @pl.loop(0, NBUF - 1)
            def _(b0):
                pltpu.async_copy(g_hbm.at[sall.at[b0]], rowsb.at[b0],
                                 gsem.at[b0])

            @pl.loop(0, PHB)
            def _(j):
                b = lax.rem(j, NBUF)
                bf = lax.rem(j + NBUF - 1, NBUF)

                @pl.when(j + NBUF - 1 < PHB)
                def _():
                    pltpu.async_copy(g_hbm.at[sall.at[j + NBUF - 1]],
                                     rowsb.at[bf], gsem.at[bf])

                pltpu.make_async_copy(
                    g_hbm.at[sall.at[0]], rowsb.at[b], gsem.at[b]).wait()
                pltpu.sync_copy(rowsb.at[b], acc.at[dall.at[j]], add=True)

        plsc.subcore_barrier()
        pltpu.sync_copy(
            acc.at[pl.ds(s * rows_per_tile, rows_per_tile)],
            out_hbm.at[c, pl.ds(s * rows_per_tile, rows_per_tile)],
        )

    return k(gflat, src2d, dst2d)


def _tc_finalize(acc, g, hists, b2d):
    R = 1024
    nb = pl.cdiv(N_NODES, R)

    def body(a_ref, g_ref, h_ref, b_ref, o_ref):
        deg = jnp.sum(h_ref[...], axis=0) + 1.0
        dis = lax.rsqrt(deg)[:, None]
        lo = (a_ref[0] + g_ref[0]) * dis
        hi = (a_ref[1] + g_ref[1]) * dis
        o = jnp.concatenate([lo, hi], axis=1) + b_ref[...]
        o_ref[...] = jnp.maximum(o, 0.0)

    return pl.pallas_call(
        body,
        grid=(nb,),
        in_specs=[
            pl.BlockSpec((2, R, HALF), lambda i: (0, i, 0)),
            pl.BlockSpec((2, R, HALF), lambda i: (0, i, 0)),
            pl.BlockSpec((NC * NS, R), lambda i: (0, i)),
            pl.BlockSpec((1, HIDDEN), lambda i: (0, 0)),
        ],
        out_specs=pl.BlockSpec((R, HIDDEN), lambda i: (i, 0)),
        out_shape=jax.ShapeDtypeStruct((N_NODES, HIDDEN), jnp.float32),
    )(acc, g, hists, b2d)


def kernel(x, edge_index, W, b):
    src = edge_index[0].astype(jnp.int32)
    dst = edge_index[1].astype(jnp.int32)
    pad = E_PAD - N_EDGES
    srcp = jnp.concatenate([src, jnp.zeros((pad,), jnp.int32)])
    dstp = jnp.concatenate([dst, jnp.full((pad,), N_NODES, jnp.int32)])
    src2d = jnp.stack([srcp, srcp + N_NODES]).reshape(2, E_PAD // EBLK, EBLK)
    dst2d = dstp.reshape(E_PAD // EBLK, EBLK)

    hists = _sc_degree_hist(dstp)
    g = _tc_matmul_scale(x, W, hists)
    acc = _sc_aggregate(g.reshape(2 * N_NODES, HALF), src2d, dst2d)
    out = _tc_finalize(acc, g, hists, b.reshape(1, HIDDEN))
    return out

# --- scband reference (transcript-rebuilt; emitter-appended) ---
"""Pipeline reference for scband-gcn-77773267796482 (READ-ONLY COPY).

The authoritative reference and input builder live on the scoring server;
editing this copy changes nothing except your own understanding.
"""

import jax, jax.numpy as jnp
import numpy as np

N_NODES = 10000
N_EDGES = 160000
HIDDEN = 256


def setup_inputs(seed: int = 0) -> dict:
    key = jax.random.key(seed)
    k1, k2, k3, k4 = jax.random.split(key, 4)
    x = jax.random.normal(k1, (N_NODES, HIDDEN), dtype=jnp.float32)
    edge_index = jax.random.randint(k2, (2, N_EDGES), 0, N_NODES, dtype=jnp.int64)
    # GCNConv learned params (glorot-style init for weight, zeros for bias)
    scale = (6.0 / (HIDDEN + HIDDEN)) ** 0.5
    W = jax.random.uniform(k3, (HIDDEN, HIDDEN), dtype=jnp.float32, minval=-scale, maxval=scale)
    b = jnp.zeros((HIDDEN,), dtype=jnp.float32)
    return {"x": x, "edge_index": edge_index, "W": W, "b": b}


def _gcn_conv(x, edge_index, W, b):
    # Faithful PyG GCNConv: add self-loops, symmetric normalization,
    # linear transform, gather-message, scatter-add aggregate, bias.
    N = x.shape[0]
    loop = jnp.arange(N, dtype=edge_index.dtype)
    src = jnp.concatenate([edge_index[0], loop])
    dst = jnp.concatenate([edge_index[1], loop])
    deg = jnp.zeros((N,), dtype=x.dtype).at[dst].add(1.0)
    deg_inv_sqrt = jnp.where(deg > 0, deg ** -0.5, 0.0)
    norm = deg_inv_sqrt[src] * deg_inv_sqrt[dst]
    h = x @ W
    msgs = h[src] * norm[:, None]
    out = jnp.zeros((N, W.shape[1]), dtype=x.dtype).at[dst].add(msgs)
    return out + b


def reference(x, edge_index, W, b):
    # dropout1 is identity in inference/deterministic mode
    out = _gcn_conv(x, edge_index, W, b)
    out = jax.nn.relu(out)
    # dropout2 is identity in inference/deterministic mode
    return out

if __name__ == "__main__":
    import jax
    _d = setup_inputs()
    print(jax.jit(kernel)(*tuple(_d.values())))

</pallas_src>

<mosaic_0001>
#map = affine_map<(d0, d1) -> (0, 0)>
#map1 = affine_map<(d0, d1) -> (0, 0, 0)>
module attributes {stable_mosaic.version = 14 : i64} {
  func.func @k(%arg0: i32, %arg1: i32, %arg2: memref<20000x128xf32, #tpu.memory_space<hbm>>, %arg3: memref<2x2560x64xi32, #tpu.memory_space<hbm>>, %arg4: memref<2560x64xi32, #tpu.memory_space<hbm>>, %arg5: memref<2x10240x128xf32, #tpu.memory_space<hbm>>, %arg6: memref<40x64xi32, #tpu.memory_space<vmem>>, %arg7: memref<40x64xi32, #tpu.memory_space<vmem>>, %arg8: memref<4x64x128xf32, #tpu.memory_space<vmem>>, %arg9: memref<4x!tpu.dma_semaphore, #tpu.memory_space<semaphore_mem>>, %arg10: memref<10240x128xf32, #tpu.memory_space<vmem_shared>>) attributes {dimension_semantics = [#tpu.dimension_semantics<core_parallel>, #tpu.dimension_semantics<subcore_parallel>], iteration_bounds = array<i64: 2, 16>, scalar_prefetch = 0 : i64, scratch_operands = 5 : i64, tpu.core_type = #tpu.core_type<sc_vector_subcore>, window_params = [{transform_indices = #map}, {transform_indices = #map1}, {transform_indices = #map}, {transform_indices = #map1}]} {
    %broadcast_in_dim3A = arith.constant 0.000000e+00 : f32
    %broadcast_in_dim3A_0 = vector.broadcast %broadcast_in_dim3A : f32 to vector<16xf32>
    %scan3A = arith.constant 0 : i32
    %scan3A_1 = arith.constant 64 : i32
    %scan3A_2 = arith.addi %scan3A, %scan3A_1 : i32
    %scan3A_3 = arith.constant 1 : i32
    scf.for %scan3A_19 = %scan3A to %scan3A_2 step %scan3A_3  : i32 {
      %mul3A_20 = arith.constant 1 : i32
      %mul3A_21 = arith.muli %scan3A_19, %mul3A_20 : i32
      %add3A = arith.constant 0 : i32
      %add3A_22 = arith.addi %add3A, %mul3A_21 : i32
      %swap3A = arith.constant 0 : i32
      %swap3A_23 = arith.index_cast %swap3A : i32 to index
      %swap3A_24 = arith.index_cast %add3A_22 : i32 to index
      %swap3A_25 = arith.constant 0 : index
      %swap3A_26 = tpu.vector_load %arg8[%swap3A_23, %swap3A_24, %swap3A_25] {strides = array<i32>} : memref<4x64x128xf32, #tpu.memory_space<vmem>>, vector<1x1x16xf32>,
      %swap3A_27 = vector.shape_cast %swap3A_26 : vector<1x1x16xf32> to vector<16xf32>
      %swap3A_28 = vector.shape_cast %broadcast_in_dim3A_0 : vector<16xf32> to vector<1x1x16xf32>
      tpu.vector_store %arg8[%swap3A_23, %swap3A_24, %swap3A_25], %swap3A_28 {strides = array<i32>} : memref<4x64x128xf32, #tpu.memory_space<vmem>>, vector<1x1x16xf32>,
      %swap3A_29 = arith.constant 0 : i32
      %swap3A_30 = arith.index_cast %swap3A_29 : i32 to index
      %swap3A_31 = arith.index_cast %add3A_22 : i32 to index
      %swap3A_32 = arith.constant 16 : index
      %swap3A_33 = tpu.vector_load %arg8[%swap3A_30, %swap3A_31, %swap3A_32] {strides = array<i32>} : memref<4x64x128xf32, #tpu.memory_space<vmem>>, vector<1x1x16xf32>,
      %swap3A_34 = vector.shape_cast %swap3A_33 : vector<1x1x16xf32> to vector<16xf32>
      %swap3A_35 = vector.shape_cast %broadcast_in_dim3A_0 : vector<16xf32> to vector<1x1x16xf32>
      tpu.vector_store %arg8[%swap3A_30, %swap3A_31, %swap3A_32], %swap3A_35 {strides = array<i32>} : memref<4x64x128xf32, #tpu.memory_space<vmem>>, vector<1x1x16xf32>,
      %swap3A_36 = arith.constant 0 : i32
      %swap3A_37 = arith.index_cast %swap3A_36 : i32 to index
      %swap3A_38 = arith.index_cast %add3A_22 : i32 to index
      %swap3A_39 = arith.constant 32 : index
      %swap3A_40 = tpu.vector_load %arg8[%swap3A_37, %swap3A_38, %swap3A_39] {strides = array<i32>} : memref<4x64x128xf32, #tpu.memory_space<vmem>>, vector<1x1x16xf32>,
      %swap3A_41 = vector.shape_cast %swap3A_40 : vector<1x1x16xf32> to vector<16xf32>
      %swap3A_42 = vector.shape_cast %broadcast_in_dim3A_0 : vector<16xf32> to vector<1x1x16xf32>
      tpu.vector_store %arg8[%swap3A_37, %swap3A_38, %swap3A_39], %swap3A_42 {strides = array<i32>} : memref<4x64x128xf32, #tpu.memory_space<vmem>>, vector<1x1x16xf32>,
      %swap3A_43 = arith.constant 0 : i32
      %swap3A_44 = arith.index_cast %swap3A_43 : i32 to index
      %swap3A_45 = arith.index_cast %add3A_22 : i32 to index
      %swap3A_46 = arith.constant 48 : index
      %swap3A_47 = tpu.vector_load %arg8[%swap3A_44, %swap3A_45, %swap3A_46] {strides = array<i32>} : memref<4x64x128xf32, #tpu.memory_space<vmem>>, vector<1x1x16xf32>,
      %swap3A_48 = vector.shape_cast %swap3A_47 : vector<1x1x16xf32> to vector<16xf32>
      %swap3A_49 = vector.shape_cast %broadcast_in_dim3A_0 : vector<16xf32> to vector<1x1x16xf32>
      tpu.vector_store %arg8[%swap3A_44, %swap3A_45, %swap3A_46], %swap3A_49 {strides = array<i32>} : memref<4x64x128xf32, #tpu.memory_space<vmem>>, vector<1x1x16xf32>,
      %swap3A_50 = arith.constant 0 : i32
      %swap3A_51 = arith.index_cast %swap3A_50 : i32 to index
      %swap3A_52 = arith.index_cast %add3A_22 : i32 to index
      %swap3A_53 = arith.constant 64 : index
      %swap3A_54 = tpu.vector_load %arg8[%swap3A_51, %swap3A_52, %swap3A_53] {strides = array<i32>} : memref<4x64x128xf32, #tpu.memory_space<vmem>>, vector<1x1x16xf32>,
      %swap3A_55 = vector.shape_cast %swap3A_54 : vector<1x1x16xf32> to vector<16xf32>
      %swap3A_56 = vector.shape_cast %broadcast_in_dim3A_0 : vector<16xf32> to vector<1x1x16xf32>
      tpu.vector_store %arg8[%swap3A_51, %swap3A_52, %swap3A_53], %swap3A_56 {strides = array<i32>} : memref<4x64x128xf32, #tpu.memory_space<vmem>>, vector<1x1x16xf32>,
      %swap3A_57 = arith.constant 0 : i32
      %swap3A_58 = arith.index_cast %swap3A_57 : i32 to index
      %swap3A_59 = arith.index_cast %add3A_22 : i32 to index
      %swap3A_60 = arith.constant 80 : index
      %swap3A_61 = tpu.vector_load %arg8[%swap3A_58, %swap3A_59, %swap3A_60] {strides = array<i32>} : memref<4x64x128xf32, #tpu.memory_space<vmem>>, vector<1x1x16xf32>,
      %swap3A_62 = vector.shape_cast %swap3A_61 : vector<1x1x16xf32> to vector<16xf32>
      %swap3A_63 = vector.shape_cast %broadcast_in_dim3A_0 : vector<16xf32> to vector<1x1x16xf32>
      tpu.vector_store %arg8[%swap3A_58, %swap3A_59, %swap3A_60], %swap3A_63 {strides = array<i32>} : memref<4x64x128xf32, #tpu.memory_space<vmem>>, vector<1x1x16xf32>,
      %swap3A_64 = arith.constant 0 : i32
      %swap3A_65 = arith.index_cast %swap3A_64 : i32 to index
      %swap3A_66 = arith.index_cast %add3A_22 : i32 to index
      %swap3A_67 = arith.constant 96 : index
      %swap3A_68 = tpu.vector_load %arg8[%swap3A_65, %swap3A_66, %swap3A_67] {strides = array<i32>} : memref<4x64x128xf32, #tpu.memory_space<vmem>>, vector<1x1x16xf32>,
      %swap3A_69 = vector.shape_cast %swap3A_68 : vector<1x1x16xf32> to vector<16xf32>
      %swap3A_70 = vector.shape_cast %broadcast_in_dim3A_0 : vector<16xf32> to vector<1x1x16xf32>
      tpu.vector_store %arg8[%swap3A_65, %swap3A_66, %swap3A_67], %swap3A_70 {strides = array<i32>} : memref<4x64x128xf32, #tpu.memory_space<vmem>>, vector<1x1x16xf32>,
      %swap3A_71 = arith.constant 0 : i32
      %swap3A_72 = arith.index_cast %swap3A_71 : i32 to index
      %swap3A_73 = arith.index_cast %add3A_22 : i32 to index
      %swap3A_74 = arith.constant 112 : index
      %swap3A_75 = tpu.vector_load %arg8[%swap3A_72, %swap3A_73, %swap3A_74] {strides = array<i32>} : memref<4x64x128xf32, #tpu.memory_space<vmem>>, vector<1x1x16xf32>,
      %swap3A_76 = vector.shape_cast %swap3A_75 : vector<1x1x16xf32> to vector<16xf32>
      %swap3A_77 = vector.shape_cast %broadcast_in_dim3A_0 : vector<16xf32> to vector<1x1x16xf32>
      tpu.vector_store %arg8[%swap3A_72, %swap3A_73, %swap3A_74], %swap3A_77 {strides = array<i32>} : memref<4x64x128xf32, #tpu.memory_space<vmem>>, vector<1x1x16xf32>,
    }
    %scan3A_4 = arith.constant 64 : i32
    %scan3A_5 = arith.constant 0 : i32
    %scan3A_6 = arith.constant 10 : i32
    %scan3A_7 = arith.addi %scan3A_5, %scan3A_6 : i32
    %scan3A_8 = arith.constant 1 : i32
    scf.for %scan3A_19 = %scan3A_5 to %scan3A_7 step %scan3A_8  : i32 {
      %mul3A_20 = arith.constant 1 : i32
      %mul3A_21 = arith.muli %scan3A_19, %mul3A_20 : i32
      %add3A = arith.constant 0 : i32
      %add3A_22 = arith.addi %add3A, %mul3A_21 : i32
      %mul3A_23 = arith.constant 640 : i32
      %mul3A_24 = arith.muli %arg1, %mul3A_23 : i32
      %mul3A_25 = arith.constant 64 : i32
      %mul3A_26 = arith.muli %add3A_22, %mul3A_25 : i32
      %add3A_27 = arith.addi %mul3A_24, %mul3A_26 : i32
      %run_scoped3A = arith.constant 0 : i32
      "tpu.region"() ({
        %run_scoped3A_28 = tpu.sem_alloc : memref<!tpu.dma_semaphore, #tpu.memory_space<semaphore_mem>>
        %dma_start3A = arith.constant 0 : i32
        %dma_start3A_29 = arith.constant 0 : i32
        %dma_start3A_30 = tpu.memref_slice %arg8[%run_scoped3A, %dma_start3A, %dma_start3A_29] : memref<4x64x128xf32, #tpu.memory_space<vmem>> -> memref<1x64x128xf32, #tpu.memory_space<vmem>>
        %dma_start3A_31 = tpu.memref_squeeze %dma_start3A_30 : memref<1x64x128xf32, #tpu.memory_space<vmem>> -> memref<64x128xf32, #tpu.memory_space<vmem>>
        %dma_start3A_32 = arith.constant 0 : i32
        %dma_start3A_33 = tpu.memref_slice %arg10[%add3A_27, %dma_start3A_32] : memref<10240x128xf32, #tpu.memory_space<vmem_shared>> -> memref<64x128xf32, #tpu.memory_space<vmem_shared>>
        %dma_start3A_34 = arith.constant 0 : i32
        %dma_start3A_35 = tpu.memref_slice %arg10[%add3A_27, %dma_start3A_34] : memref<10240x128xf32, #tpu.memory_space<vmem_shared>> -> memref<64x128xf32, #tpu.memory_space<vmem_shared>>
        %dma_start3A_36 = arith.constant 0 : i32
        %dma_start3A_37 = arith.constant 0 : i32
        %dma_start3A_38 = tpu.memref_slice %arg8[%run_scoped3A, %dma_start3A_36, %dma_start3A_37] : memref<4x64x128xf32, #tpu.memory_space<vmem>> -> memref<1x64x128xf32, #tpu.memory_space<vmem>>
        %dma_start3A_39 = tpu.memref_squeeze %dma_start3A_38 : memref<1x64x128xf32, #tpu.memory_space<vmem>> -> memref<64x128xf32, #tpu.memory_space<vmem>>
        tpu.enqueue_dma source(%dma_start3A_39 : memref<64x128xf32, #tpu.memory_space<vmem>>) target(%dma_start3A_35 : memref<64x128xf32, #tpu.memory_space<vmem_shared>>) target_semaphore(%run_scoped3A_28 : memref<!tpu.dma_semaphore, #tpu.memory_space<semaphore_mem>>)
        %dma_wait3A = arith.constant 0 : i32
        %dma_wait3A_40 = arith.constant 0 : i32
        %dma_wait3A_41 = tpu.memref_slice %arg8[%run_scoped3A, %dma_wait3A, %dma_wait3A_40] : memref<4x64x128xf32, #tpu.memory_space<vmem>> -> memref<1x64x128xf32, #tpu.memory_space<vmem>>
        %dma_wait3A_42 = tpu.memref_squeeze %dma_wait3A_41 : memref<1x64x128xf32, #tpu.memory_space<vmem>> -> memref<64x128xf32, #tpu.memory_space<vmem>>
        %dma_wait3A_43 = arith.constant 0 : i32
        %dma_wait3A_44 = tpu.memref_slice %arg10[%add3A_27, %dma_wait3A_43] : memref<10240x128xf32, #tpu.memory_space<vmem_shared>> -> memref<64x128xf32, #tpu.memory_space<vmem_shared>>
        %dma_wait3A_45 = arith.constant 0 : i32
        %dma_wait3A_46 = tpu.memref_slice %arg10[%add3A_27, %dma_wait3A_45] : memref<10240x128xf32, #tpu.memory_space<vmem_shared>> -> memref<64x128xf32, #tpu.memory_space<vmem_shared>>
        %dma_wait3A_47 = arith.constant 0 : i32
        %dma_wait3A_48 = arith.constant 0 : i32
        %dma_wait3A_49 = tpu.memref_slice %arg8[%run_scoped3A, %dma_wait3A_47, %dma_wait3A_48] : memref<4x64x128xf32, #tpu.memory_space<vmem>> -> memref<1x64x128xf32, #tpu.memory_space<vmem>>
        %dma_wait3A_50 = tpu.memref_squeeze %dma_wait3A_49 : memref<1x64x128xf32, #tpu.memory_space<vmem>> -> memref<64x128xf32, #tpu.memory_space<vmem>>
        tpu.wait_dma2 semaphore(%run_scoped3A_28 : memref<!tpu.dma_semaphore, #tpu.memory_space<semaphore_mem>>) src(%dma_wait3A_50 : memref<64x128xf32, #tpu.memory_space<vmem>>) dst(%dma_wait3A_46 : memref<64x128xf32, #tpu.memory_space<vmem_shared>>)
        tpu.yield
      }) : () -> ()
    }
    %scan3A_9 = arith.constant 10 : i32
    %barrier3A = arith.constant 0 : index
    tpu.barrier barrier_id(%barrier3A)
    %scan3A_10 = arith.constant 0 : i32
    %scan3A_11 = arith.constant 4 : i32
    %scan3A_12 = arith.addi %scan3A_10, %scan3A_11 : i32
    %scan3A_13 = arith.constant 1 : i32
    scf.for %scan3A_19 = %scan3A_10 to %scan3A_12 step %scan3A_13  : i32 {
      %mul3A_20 = arith.constant 1 : i32
      %mul3A_21 = arith.muli %scan3A_19, %mul3A_20 : i32
      %add3A = arith.constant 0 : i32
      %add3A_22 = arith.addi %add3A, %mul3A_21 : i32
      %mul3A_23 = arith.constant 160 : i32
      %mul3A_24 = arith.muli %arg1, %mul3A_23 : i32
      %mul3A_25 = arith.constant 40 : i32
      %mul3A_26 = arith.muli %add3A_22, %mul3A_25 : i32
      %add3A_27 = arith.addi %mul3A_24, %mul3A_26 : i32
      "tpu.region"() ({
        %run_scoped3A = tpu.sem_alloc : memref<!tpu.dma_semaphore, #tpu.memory_space<semaphore_mem>>
        %dma_start3A = arith.constant 0 : i32
        %dma_start3A_38 = tpu.memref_slice %arg3[%arg0, %add3A_27, %dma_start3A] : memref<2x2560x64xi32, #tpu.memory_space<hbm>> -> memref<1x40x64xi32, #tpu.memory_space<hbm>>
        %dma_start3A_39 = tpu.memref_squeeze %dma_start3A_38 : memref<1x40x64xi32, #tpu.memory_space<hbm>> -> memref<40x64xi32, #tpu.memory_space<hbm>>
        %dma_start3A_40 = arith.constant 0 : i32
        %dma_start3A_41 = tpu.memref_slice %arg3[%arg0, %add3A_27, %dma_start3A_40] : memref<2x2560x64xi32, #tpu.memory_space<hbm>> -> memref<1x40x64xi32, #tpu.memory_space<hbm>>
        %dma_start3A_42 = tpu.memref_squeeze %dma_start3A_41 : memref<1x40x64xi32, #tpu.memory_space<hbm>> -> memref<40x64xi32, #tpu.memory_space<hbm>>
        tpu.enqueue_dma source(%dma_start3A_42 : memref<40x64xi32, #tpu.memory_space<hbm>>) target(%arg6 : memref<40x64xi32, #tpu.memory_space<vmem>>) target_semaphore(%run_scoped3A : memref<!tpu.dma_semaphore, #tpu.memory_space<semaphore_mem>>)
        %dma_wait3A = arith.constant 0 : i32
        %dma_wait3A_43 = tpu.memref_slice %arg3[%arg0, %add3A_27, %dma_wait3A] : memref<2x2560x64xi32, #tpu.memory_space<hbm>> -> memref<1x40x64xi32, #tpu.memory_space<hbm>>
        %dma_wait3A_44 = tpu.memref_squeeze %dma_wait3A_43 : memref<1x40x64xi32, #tpu.memory_space<hbm>> -> memref<40x64xi32, #tpu.memory_space<hbm>>
        %dma_wait3A_45 = arith.constant 0 : i32
        %dma_wait3A_46 = tpu.memref_slice %arg3[%arg0, %add3A_27, %dma_wait3A_45] : memref<2x2560x64xi32, #tpu.memory_space<hbm>> -> memref<1x40x64xi32, #tpu.memory_space<hbm>>
        %dma_wait3A_47 = tpu.memref_squeeze %dma_wait3A_46 : memref<1x40x64xi32, #tpu.memory_space<hbm>> -> memref<40x64xi32, #tpu.memory_space<hbm>>
        tpu.wait_dma2 semaphore(%run_scoped3A : memref<!tpu.dma_semaphore, #tpu.memory_space<semaphore_mem>>) src(%dma_wait3A_47 : memref<40x64xi32, #tpu.memory_space<hbm>>) dst(%arg6 : memref<40x64xi32, #tpu.memory_space<vmem>>)
        tpu.yield
      }) : () -> ()
      "tpu.region"() ({
        %run_scoped3A = tpu.sem_alloc : memref<!tpu.dma_semaphore, #tpu.memory_space<semaphore_mem>>
        %dma_start3A = arith.constant 0 : i32
        %dma_start3A_38 = tpu.memref_slice %arg4[%add3A_27, %dma_start3A] : memref<2560x64xi32, #tpu.memory_space<hbm>> -> memref<40x64xi32, #tpu.memory_space<hbm>>
        %dma_start3A_39 = arith.constant 0 : i32
        %dma_start3A_40 = tpu.memref_slice %arg4[%add3A_27, %dma_start3A_39] : memref<2560x64xi32, #tpu.memory_space<hbm>> -> memref<40x64xi32, #tpu.memory_space<hbm>>
        tpu.enqueue_dma source(%dma_start3A_40 : memref<40x64xi32, #tpu.memory_space<hbm>>) target(%arg7 : memref<40x64xi32, #tpu.memory_space<vmem>>) target_semaphore(%run_scoped3A : memref<!tpu.dma_semaphore, #tpu.memory_space<semaphore_mem>>)
        %dma_wait3A = arith.constant 0 : i32
        %dma_wait3A_41 = tpu.memref_slice %arg4[%add3A_27, %dma_wait3A] : memref<2560x64xi32, #tpu.memory_space<hbm>> -> memref<40x64xi32, #tpu.memory_space<hbm>>
        %dma_wait3A_42 = arith.constant 0 : i32
        %dma_wait3A_43 = tpu.memref_slice %arg4[%add3A_27, %dma_wait3A_42] : memref<2560x64xi32, #tpu.memory_space<hbm>> -> memref<40x64xi32, #tpu.memory_space<hbm>>
        tpu.wait_dma2 semaphore(%run_scoped3A : memref<!tpu.dma_semaphore, #tpu.memory_space<semaphore_mem>>) src(%dma_wait3A_43 : memref<40x64xi32, #tpu.memory_space<hbm>>) dst(%arg7 : memref<40x64xi32, #tpu.memory_space<vmem>>)
        tpu.yield
      }) : () -> ()
      %scan3A_28 = arith.constant 0 : i32
      %scan3A_29 = arith.constant 3 : i32
      %scan3A_30 = arith.addi %scan3A_28, %scan3A_29 : i32
      %scan3A_31 = arith.constant 1 : i32
      scf.for %scan3A_38 = %scan3A_28 to %scan3A_30 step %scan3A_31  : i32 {
        %mul3A_39 = arith.constant 1 : i32
        %mul3A_40 = arith.muli %scan3A_38, %mul3A_39 : i32
        %add3A_41 = arith.constant 0 : i32
        %add3A_42 = arith.addi %add3A_41, %mul3A_40 : i32
        %dma_start3A = arith.constant 0 : i32
        %dma_start3A_43 = arith.constant 0 : i32
        %dma_start3A_44 = tpu.memref_slice %arg8[%add3A_42, %dma_start3A, %dma_start3A_43] : memref<4x64x128xf32, #tpu.memory_space<vmem>> -> memref<1x64x128xf32, #tpu.memory_space<vmem>>
        %dma_start3A_45 = tpu.memref_squeeze %dma_start3A_44 : memref<1x64x128xf32, #tpu.memory_space<vmem>> -> memref<64x128xf32, #tpu.memory_space<vmem>>
        %dma_start3A_46 = arith.constant 0 : i32
        %dma_start3A_47 = tpu.memref_slice %arg6[%add3A_42, %dma_start3A_46] : memref<40x64xi32, #tpu.memory_space<vmem>> -> memref<1x64xi32, #tpu.memory_space<vmem>>
        %dma_start3A_48 = tpu.memref_squeeze %dma_start3A_47 : memref<1x64xi32, #tpu.memory_space<vmem>> -> memref<64xi32, #tpu.memory_space<vmem>>
        %dma_start3A_49 = arith.constant 0 : i32
        %dma_start3A_50 = arith.constant 0 : i32
        %dma_start3A_51 = tpu.memref_slice %arg2[%dma_start3A_49, %dma_start3A_50] : memref<20000x128xf32, #tpu.memory_space<hbm>> -> memref<20000x128xf32, #tpu.memory_space<hbm>>
        %dma_start3A_52 = tpu.memref_slice %arg9[%add3A_42] : memref<4x!tpu.dma_semaphore, #tpu.memory_space<semaphore_mem>> -> memref<1x!tpu.dma_semaphore, #tpu.memory_space<semaphore_mem>>
        %dma_start3A_53 = tpu.memref_squeeze %dma_start3A_52 : memref<1x!tpu.dma_semaphore, #tpu.memory_space<semaphore_mem>> -> memref<!tpu.dma_semaphore, #tpu.memory_space<semaphore_mem>>
        tpu.enqueue_indirect_dma source(%dma_start3A_51 : memref<20000x128xf32, #tpu.memory_space<hbm>>) target(%dma_start3A_45 : memref<64x128xf32, #tpu.memory_space<vmem>>) offsets(%dma_start3A_48 : memref<64xi32, #tpu.memory_space<vmem>>) semaphore(%dma_start3A_53 : memref<!tpu.dma_semaphore, #tpu.memory_space<semaphore_mem>>)
      }
      %scan3A_32 = arith.constant 3 : i32
      %scan3A_33 = arith.constant 0 : i32
      %scan3A_34 = arith.constant 40 : i32
      %scan3A_35 = arith.addi %scan3A_33, %scan3A_34 : i32
      %scan3A_36 = arith.constant 1 : i32
      scf.for %scan3A_38 = %scan3A_33 to %scan3A_35 step %scan3A_36  : i32 {
        %mul3A_39 = arith.constant 1 : i32
        %mul3A_40 = arith.muli %scan3A_38, %mul3A_39 : i32
        %add3A_41 = arith.constant 0 : i32
        %add3A_42 = arith.addi %add3A_41, %mul3A_40 : i32
        %rem3A = arith.constant 4 : i32
        %rem3A_43 = arith.remsi %add3A_42, %rem3A : i32
        %add3A_44 = arith.constant 4 : i32
        %add3A_45 = arith.addi %add3A_42, %add3A_44 : i32
        %sub3A = arith.constant 1 : i32
        %sub3A_46 = arith.subi %add3A_45, %sub3A : i32
        %rem3A_47 = arith.constant 4 : i32
        %rem3A_48 = arith.remsi %sub3A_46, %rem3A_47 : i32
        %add3A_49 = arith.constant 4 : i32
        %add3A_50 = arith.addi %add3A_42, %add3A_49 : i32
        %sub3A_51 = arith.constant 1 : i32
        %sub3A_52 = arith.subi %add3A_50, %sub3A_51 : i32
        %lt3A = arith.constant 40 : i32
        %lt3A_53 = arith.cmpi slt, %sub3A_52, %lt3A : i32
        %convert_element_type3A = arith.extui %lt3A_53 : i1 to i32
        %cond3A = arith.constant 0 : i32
        %cond3A_54 = arith.cmpi ne, %convert_element_type3A, %cond3A : i32
        scf.if %cond3A_54 {
          %add3A_67 = arith.constant 4 : i32
          %add3A_68 = arith.addi %add3A_42, %add3A_67 : i32
          %sub3A_69 = arith.constant 1 : i32
          %sub3A_70 = arith.subi %add3A_68, %sub3A_69 : i32
          %dma_start3A = arith.constant 0 : i32
          %dma_start3A_71 = arith.constant 0 : i32
          %dma_start3A_72 = tpu.memref_slice %arg8[%rem3A_48, %dma_start3A, %dma_start3A_71] : memref<4x64x128xf32, #tpu.memory_space<vmem>> -> memref<1x64x128xf32, #tpu.memory_space<vmem>>
          %dma_start3A_73 = tpu.memref_squeeze %dma_start3A_72 : memref<1x64x128xf32, #tpu.memory_space<vmem>> -> memref<64x128xf32, #tpu.memory_space<vmem>>
          %dma_start3A_74 = arith.constant 0 : i32
          %dma_start3A_75 = tpu.memref_slice %arg6[%sub3A_70, %dma_start3A_74] : memref<40x64xi32, #tpu.memory_space<vmem>> -> memref<1x64xi32, #tpu.memory_space<vmem>>
          %dma_start3A_76 = tpu.memref_squeeze %dma_start3A_75 : memref<1x64xi32, #tpu.memory_space<vmem>> -> memref<64xi32, #tpu.memory_space<vmem>>
          %dma_start3A_77 = arith.constant 0 : i32
          %dma_start3A_78 = arith.constant 0 : i32
          %dma_start3A_79 = tpu.memref_slice %arg2[%dma_start3A_77, %dma_start3A_78] : memref<20000x128xf32, #tpu.memory_space<hbm>> -> memref<20000x128xf32, #tpu.memory_space<hbm>>
          %dma_start3A_80 = tpu.memref_slice %arg9[%rem3A_48] : memref<4x!tpu.dma_semaphore, #tpu.memory_space<semaphore_mem>> -> memref<1x!tpu.dma_semaphore, #tpu.memory_space<semaphore_mem>>
          %dma_start3A_81 = tpu.memref_squeeze %dma_start3A_80 : memref<1x!tpu.dma_semaphore, #tpu.memory_space<semaphore_mem>> -> memref<!tpu.dma_semaphore, #tpu.memory_space<semaphore_mem>>
          tpu.enqueue_indirect_dma source(%dma_start3A_79 : memref<20000x128xf32, #tpu.memory_space<hbm>>) target(%dma_start3A_73 : memref<64x128xf32, #tpu.memory_space<vmem>>) offsets(%dma_start3A_76 : memref<64xi32, #tpu.memory_space<vmem>>) semaphore(%dma_start3A_81 : memref<!tpu.dma_semaphore, #tpu.memory_space<semaphore_mem>>)
        } else {
        }
        %dma_wait3A = arith.constant 0 : i32
        %dma_wait3A_55 = arith.constant 0 : i32
        %dma_wait3A_56 = arith.constant 0 : i32
        %dma_wait3A_57 = tpu.memref_slice %arg8[%rem3A_43, %dma_wait3A_55, %dma_wait3A_56] : memref<4x64x128xf32, #tpu.memory_space<vmem>> -> memref<1x64x128xf32, #tpu.memory_space<vmem>>
        %dma_wait3A_58 = tpu.memref_squeeze %dma_wait3A_57 : memref<1x64x128xf32, #tpu.memory_space<vmem>> -> memref<64x128xf32, #tpu.memory_space<vmem>>
        %dma_wait3A_59 = arith.constant 0 : i32
        %dma_wait3A_60 = tpu.memref_slice %arg6[%dma_wait3A, %dma_wait3A_59] : memref<40x64xi32, #tpu.memory_space<vmem>> -> memref<1x64xi32, #tpu.memory_space<vmem>>
        %dma_wait3A_61 = tpu.memref_squeeze %dma_wait3A_60 : memref<1x64xi32, #tpu.memory_space<vmem>> -> memref<64xi32, #tpu.memory_space<vmem>>
        %dma_wait3A_62 = arith.constant 0 : i32
        %dma_wait3A_63 = arith.constant 0 : i32
        %dma_wait3A_64 = tpu.memref_slice %arg2[%dma_wait3A_62, %dma_wait3A_63] : memref<20000x128xf32, #tpu.memory_space<hbm>> -> memref<20000x128xf32, #tpu.memory_space<hbm>>
        %dma_wait3A_65 = tpu.memref_slice %arg9[%rem3A_43] : memref<4x!tpu.dma_semaphore, #tpu.memory_space<semaphore_mem>> -> memref<1x!tpu.dma_semaphore, #tpu.memory_space<semaphore_mem>>
        %dma_wait3A_66 = tpu.memref_squeeze %dma_wait3A_65 : memref<1x!tpu.dma_semaphore, #tpu.memory_space<semaphore_mem>> -> memref<!tpu.dma_semaphore, #tpu.memory_space<semaphore_mem>>
        tpu.wait_indirect_dma semaphore(%dma_wait3A_66 : memref<!tpu.dma_semaphore, #tpu.memory_space<semaphore_mem>>) src(%dma_wait3A_64 : memref<20000x128xf32, #tpu.memory_space<hbm>>) dst(%dma_wait3A_58 : memref<64x128xf32, #tpu.memory_space<vmem>>)
        "tpu.region"() ({
          %run_scoped3A = tpu.sem_alloc : memref<!tpu.dma_semaphore, #tpu.memory_space<semaphore_mem>>
          %dma_start3A = arith.constant 0 : i32
          %dma_start3A_67 = arith.constant 0 : i32
          %dma_start3A_68 = tpu.memref_slice %arg8[%rem3A_43, %dma_start3A, %dma_start3A_67] : memref<4x64x128xf32, #tpu.memory_space<vmem>> -> memref<1x64x128xf32, #tpu.memory_space<vmem>>
          %dma_start3A_69 = tpu.memref_squeeze %dma_start3A_68 : memref<1x64x128xf32, #tpu.memory_space<vmem>> -> memref<64x128xf32, #tpu.memory_space<vmem>>
          %dma_start3A_70 = arith.constant 0 : i32
          %dma_start3A_71 = tpu.memref_slice %arg7[%add3A_42, %dma_start3A_70] : memref<40x64xi32, #tpu.memory_space<vmem>> -> memref<1x64xi32, #tpu.memory_space<vmem>>
          %dma_start3A_72 = tpu.memref_squeeze %dma_start3A_71 : memref<1x64xi32, #tpu.memory_space<vmem>> -> memref<64xi32, #tpu.memory_space<vmem>>
          %dma_start3A_73 = arith.constant 0 : i32
          %dma_start3A_74 = arith.constant 0 : i32
          %dma_start3A_75 = tpu.memref_slice %arg10[%dma_start3A_73, %dma_start3A_74] : memref<10240x128xf32, #tpu.memory_space<vmem_shared>> -> memref<10240x128xf32, #tpu.memory_space<vmem_shared>>
          tpu.enqueue_indirect_dma source(%dma_start3A_69 : memref<64x128xf32, #tpu.memory_space<vmem>>) target(%dma_start3A_75 : memref<10240x128xf32, #tpu.memory_space<vmem_shared>>) offsets(%dma_start3A_72 : memref<64xi32, #tpu.memory_space<vmem>>) semaphore(%run_scoped3A : memref<!tpu.dma_semaphore, #tpu.memory_space<semaphore_mem>>) {add = true}
          %dma_wait3A_76 = arith.constant 0 : i32
          %dma_wait3A_77 = arith.constant 0 : i32
          %dma_wait3A_78 = tpu.memref_slice %arg8[%rem3A_43, %dma_wait3A_76, %dma_wait3A_77] : memref<4x64x128xf32, #tpu.memory_space<vmem>> -> memref<1x64x128xf32, #tpu.memory_space<vmem>>
          %dma_wait3A_79 = tpu.memref_squeeze %dma_wait3A_78 : memref<1x64x128xf32, #tpu.memory_space<vmem>> -> memref<64x128xf32, #tpu.memory_space<vmem>>
          %dma_wait3A_80 = arith.constant 0 : i32
          %dma_wait3A_81 = tpu.memref_slice %arg7[%add3A_42, %dma_wait3A_80] : memref<40x64xi32, #tpu.memory_space<vmem>> -> memref<1x64xi32, #tpu.memory_space<vmem>>
          %dma_wait3A_82 = tpu.memref_squeeze %dma_wait3A_81 : memref<1x64xi32, #tpu.memory_space<vmem>> -> memref<64xi32, #tpu.memory_space<vmem>>
          %dma_wait3A_83 = arith.constant 0 : i32
          %dma_wait3A_84 = arith.constant 0 : i32
          %dma_wait3A_85 = tpu.memref_slice %arg10[%dma_wait3A_83, %dma_wait3A_84] : memref<10240x128xf32, #tpu.memory_space<vmem_shared>> -> memref<10240x128xf32, #tpu.memory_space<vmem_shared>>
          tpu.wait_indirect_dma semaphore(%run_scoped3A : memref<!tpu.dma_semaphore, #tpu.memory_space<semaphore_mem>>) src(%dma_wait3A_79 : memref<64x128xf32, #tpu.memory_space<vmem>>) dst(%dma_wait3A_85 : memref<10240x128xf32, #tpu.memory_space<vmem_shared>>)
          tpu.yield
        }) : () -> ()
      }
      %scan3A_37 = arith.constant 40 : i32
    }
    %scan3A_14 = arith.constant 4 : i32
    %barrier3A_15 = arith.constant 0 : index
    tpu.barrier barrier_id(%barrier3A_15)
    %mul3A = arith.constant 640 : i32
    %mul3A_16 = arith.muli %arg1, %mul3A : i32
    %mul3A_17 = arith.constant 640 : i32
    %mul3A_18 = arith.muli %arg1, %mul3A_17 : i32
    "tpu.region"() ({
      %run_scoped3A = tpu.sem_alloc : memref<!tpu.dma_semaphore, #tpu.memory_space<semaphore_mem>>
      %dma_start3A = arith.constant 0 : i32
      %dma_start3A_19 = tpu.memref_slice %arg5[%arg0, %mul3A_18, %dma_start3A] : memref<2x10240x128xf32, #tpu.memory_space<hbm>> -> memref<1x640x128xf32, #tpu.memory_space<hbm>>
      %dma_start3A_20 = tpu.memref_squeeze %dma_start3A_19 : memref<1x640x128xf32, #tpu.memory_space<hbm>> -> memref<640x128xf32, #tpu.memory_space<hbm>>
      %dma_start3A_21 = arith.constant 0 : i32
      %dma_start3A_22 = tpu.memref_slice %arg10[%mul3A_16, %dma_start3A_21] : memref<10240x128xf32, #tpu.memory_space<vmem_shared>> -> memref<640x128xf32, #tpu.memory_space<vmem_shared>>
      tpu.enqueue_dma source(%dma_start3A_22 : memref<640x128xf32, #tpu.memory_space<vmem_shared>>) target(%dma_start3A_20 : memref<640x128xf32, #tpu.memory_space<hbm>>) target_semaphore(%run_scoped3A : memref<!tpu.dma_semaphore, #tpu.memory_space<semaphore_mem>>)
      %dma_wait3A = arith.constant 0 : i32
      %dma_wait3A_23 = tpu.memref_slice %arg5[%arg0, %mul3A_18, %dma_wait3A] : memref<2x10240x128xf32, #tpu.memory_space<hbm>> -> memref<1x640x128xf32, #tpu.memory_space<hbm>>
      %dma_wait3A_24 = tpu.memref_squeeze %dma_wait3A_23 : memref<1x640x128xf32, #tpu.memory_space<hbm>> -> memref<640x128xf32, #tpu.memory_space<hbm>>
      %dma_wait3A_25 = arith.constant 0 : i32
      %dma_wait3A_26 = tpu.memref_slice %arg10[%mul3A_16, %dma_wait3A_25] : memref<10240x128xf32, #tpu.memory_space<vmem_shared>> -> memref<640x128xf32, #tpu.memory_space<vmem_shared>>
      tpu.wait_dma2 semaphore(%run_scoped3A : memref<!tpu.dma_semaphore, #tpu.memory_space<semaphore_mem>>) src(%dma_wait3A_26 : memref<640x128xf32, #tpu.memory_space<vmem_shared>>) dst(%dma_wait3A_24 : memref<640x128xf32, #tpu.memory_space<hbm>>)
      tpu.yield
    }) : () -> ()
    return
  }
}

#map = affine_map<(d0, d1) -> (0)>
#map1 = affine_map<(d0, d1) -> (0, 0)>
module attributes {stable_mosaic.version = 14 : i64} {
  func.func @k(%arg0: i32, %arg1: i32, %arg2: memref<163840xi32, #tpu.memory_space<hbm>>, %arg3: memref<32x10240xf32, #tpu.memory_space<hbm>>, %arg4: memref<5120xi32, #tpu.memory_space<vmem>>, %arg5: memref<10240xf32, #tpu.memory_space<vmem>>) attributes {dimension_semantics = [#tpu.dimension_semantics<core_parallel>, #tpu.dimension_semantics<subcore_parallel>], iteration_bounds = array<i64: 2, 16>, scalar_prefetch = 0 : i64, scratch_operands = 2 : i64, tpu.core_type = #tpu.core_type<sc_vector_subcore>, window_params = [{transform_indices = #map}, {transform_indices = #map1}]} {
    %mul3A = arith.constant 2 : i32
    %mul3A_0 = arith.muli %arg1, %mul3A : i32
    %add3A = arith.addi %mul3A_0, %arg0 : i32
    %mul3A_1 = arith.constant 5120 : i32
    %mul3A_2 = arith.muli %add3A, %mul3A_1 : i32
    "tpu.region"() ({
      %run_scoped3A = tpu.sem_alloc : memref<!tpu.dma_semaphore, #tpu.memory_space<semaphore_mem>>
      %dma_start3A = tpu.memref_slice %arg2[%mul3A_2] : memref<163840xi32, #tpu.memory_space<hbm>> -> memref<5120xi32, #tpu.memory_space<hbm>>
      %dma_start3A_15 = tpu.memref_slice %arg2[%mul3A_2] : memref<163840xi32, #tpu.memory_space<hbm>> -> memref<5120xi32, #tpu.memory_space<hbm>>
      tpu.enqueue_dma source(%dma_start3A_15 : memref<5120xi32, #tpu.memory_space<hbm>>) target(%arg4 : memref<5120xi32, #tpu.memory_space<vmem>>) target_semaphore(%run_scoped3A : memref<!tpu.dma_semaphore, #tpu.memory_space<semaphore_mem>>)
      %dma_wait3A = tpu.memref_slice %arg2[%mul3A_2] : memref<163840xi32, #tpu.memory_space<hbm>> -> memref<5120xi32, #tpu.memory_space<hbm>>
      %dma_wait3A_16 = tpu.memref_slice %arg2[%mul3A_2] : memref<163840xi32, #tpu.memory_space<hbm>> -> memref<5120xi32, #tpu.memory_space<hbm>>
      tpu.wait_dma2 semaphore(%run_scoped3A : memref<!tpu.dma_semaphore, #tpu.memory_space<semaphore_mem>>) src(%dma_wait3A_16 : memref<5120xi32, #tpu.memory_space<hbm>>) dst(%arg4 : memref<5120xi32, #tpu.memory_space<vmem>>)
      tpu.yield
    }) : () -> ()
    %broadcast_in_dim3A = arith.constant 0.000000e+00 : f32
    %broadcast_in_dim3A_3 = vector.broadcast %broadcast_in_dim3A : f32 to vector<16xf32>
    %scan3A = arith.constant 0 : i32
    %scan3A_4 = arith.constant 640 : i32
    %scan3A_5 = arith.addi %scan3A, %scan3A_4 : i32
    %scan3A_6 = arith.constant 1 : i32
    scf.for %scan3A_15 = %scan3A to %scan3A_5 step %scan3A_6  : i32 {
      %mul3A_16 = arith.constant 16 : i32
      %mul3A_17 = arith.muli %scan3A_15, %mul3A_16 : i32
      %add3A_18 = arith.constant 0 : i32
      %add3A_19 = arith.addi %add3A_18, %mul3A_17 : i32
      %swap3A = arith.index_cast %add3A_19 : i32 to index
      %swap3A_20 = tpu.vector_load %arg5[%swap3A] {strides = array<i32>} : memref<10240xf32, #tpu.memory_space<vmem>>, vector<16xf32>,
      tpu.vector_store %arg5[%swap3A], %broadcast_in_dim3A_3 {strides = array<i32>} : memref<10240xf32, #tpu.memory_space<vmem>>, vector<16xf32>,
    }
    %scan3A_7 = arith.constant 640 : i32
    %broadcast_in_dim3A_8 = arith.constant 1.000000e+00 : f32
    %broadcast_in_dim3A_9 = vector.broadcast %broadcast_in_dim3A_8 : f32 to vector<16xf32>
    %scan3A_10 = arith.constant 0 : i32
    %scan3A_11 = arith.constant 320 : i32
    %scan3A_12 = arith.addi %scan3A_10, %scan3A_11 : i32
    %scan3A_13 = arith.constant 1 : i32
    scf.for %scan3A_15 = %scan3A_10 to %scan3A_12 step %scan3A_13  : i32 {
      %mul3A_16 = arith.constant 16 : i32
      %mul3A_17 = arith.muli %scan3A_15, %mul3A_16 : i32
      %add3A_18 = arith.constant 0 : i32
      %add3A_19 = arith.addi %add3A_18, %mul3A_17 : i32
      %get3A = arith.index_cast %add3A_19 : i32 to index
      %get3A_20 = tpu.vector_load %arg4[%get3A] {strides = array<i32>} : memref<5120xi32, #tpu.memory_space<vmem>>, vector<16xi32>,
      tpu.vector_store_idx %arg5[%get3A_20], %broadcast_in_dim3A_9 {add = true} : memref<10240xf32, #tpu.memory_space<vmem>>[vector<16xi32>], vector<16xf32>,
    }
    %scan3A_14 = arith.constant 320 : i32
    "tpu.region"() ({
      %run_scoped3A = tpu.sem_alloc : memref<!tpu.dma_semaphore, #tpu.memory_space<semaphore_mem>>
      %dma_start3A = arith.constant 0 : i32
      %dma_start3A_15 = tpu.memref_slice %arg3[%add3A, %dma_start3A] : memref<32x10240xf32, #tpu.memory_space<hbm>> -> memref<1x10240xf32, #tpu.memory_space<hbm>>
      %dma_start3A_16 = tpu.memref_squeeze %dma_start3A_15 : memref<1x10240xf32, #tpu.memory_space<hbm>> -> memref<10240xf32, #tpu.memory_space<hbm>>
      %dma_start3A_17 = arith.constant 0 : i32
      %dma_start3A_18 = tpu.memref_slice %arg3[%add3A, %dma_start3A_17] : memref<32x10240xf32, #tpu.memory_space<hbm>> -> memref<1x10240xf32, #tpu.memory_space<hbm>>
      %dma_start3A_19 = tpu.memref_squeeze %dma_start3A_18 : memref<1x10240xf32, #tpu.memory_space<hbm>> -> memref<10240xf32, #tpu.memory_space<hbm>>
      tpu.enqueue_dma source(%arg5 : memref<10240xf32, #tpu.memory_space<vmem>>) target(%dma_start3A_19 : memref<10240xf32, #tpu.memory_space<hbm>>) target_semaphore(%run_scoped3A : memref<!tpu.dma_semaphore, #tpu.memory_space<semaphore_mem>>)
      %dma_wait3A = arith.constant 0 : i32
      %dma_wait3A_20 = tpu.memref_slice %arg3[%add3A, %dma_wait3A] : memref<32x10240xf32, #tpu.memory_space<hbm>> -> memref<1x10240xf32, #tpu.memory_space<hbm>>
      %dma_wait3A_21 = tpu.memref_squeeze %dma_wait3A_20 : memref<1x10240xf32, #tpu.memory_space<hbm>> -> memref<10240xf32, #tpu.memory_space<hbm>>
      %dma_wait3A_22 = arith.constant 0 : i32
      %dma_wait3A_23 = tpu.memref_slice %arg3[%add3A, %dma_wait3A_22] : memref<32x10240xf32, #tpu.memory_space<hbm>> -> memref<1x10240xf32, #tpu.memory_space<hbm>>
      %dma_wait3A_24 = tpu.memref_squeeze %dma_wait3A_23 : memref<1x10240xf32, #tpu.memory_space<hbm>> -> memref<10240xf32, #tpu.memory_space<hbm>>
      tpu.wait_dma2 semaphore(%run_scoped3A : memref<!tpu.dma_semaphore, #tpu.memory_space<semaphore_mem>>) src(%arg5 : memref<10240xf32, #tpu.memory_space<vmem>>) dst(%dma_wait3A_24 : memref<10240xf32, #tpu.memory_space<hbm>>)
      tpu.yield
    }) : () -> ()
    return
  }
}

module attributes {stable_mosaic.version = 14 : i64} {
  func.func @body(%arg0: i32, %arg1: memref<1024x256xf32, #tpu.memory_space<vmem>>, %arg2: memref<256x256xf32, #tpu.memory_space<vmem>>, %arg3: memref<32x1024xf32, #tpu.memory_space<vmem>>, %arg4: memref<2x1024x128xf32, #tpu.memory_space<vmem>>) attributes {dimension_semantics = [#tpu.dimension_semantics<arbitrary>], iteration_bounds = array<i64: 10>, scalar_prefetch = 0 : i64, scratch_operands = 0 : i64, tpu.core_type = #tpu.core_type<tc>, window_params = [{transform_indices = @transform_0, window_bounds = array<i64: 1024, 256>}, {pipeline_mode = #tpu.pipeline_mode<synchronous>, transform_indices = @transform_1, window_bounds = array<i64: 256, 256>}, {transform_indices = @transform_2, window_bounds = array<i64: 32, 1024>}, {transform_indices = @transform_3, window_bounds = array<i64: 2, 1024, 128>}]} {
    %get3A = arith.constant 0 : index
    %get3A_0 = arith.constant 0 : index
    %get3A_1 = vector.load %arg1[%get3A, %get3A_0] : memref<1024x256xf32, #tpu.memory_space<vmem>>, vector<1024x256xf32>
    %get3A_2 = arith.constant 0 : index
    %get3A_3 = arith.constant 0 : index
    %get3A_4 = vector.load %arg2[%get3A_2, %get3A_3] : memref<256x256xf32, #tpu.memory_space<vmem>>, vector<256x256xf32>
    %dot_general3A = arith.constant dense<0.000000e+00> : vector<1024x256xf32>
    %dot_general3A_5 = tpu.matmul %get3A_1, %get3A_4, %dot_general3A {dimension_numbers = #tpu.dot_dimension_numbers<[1], [0], [0], [1], [0, 0, 1, 1], [], []>, transpose_lhs_hint = false} : vector<1024x256xf32>, vector<256x256xf32>, vector<1024x256xf32> -> vector<1024x256xf32>
    %get3A_6 = arith.constant 0 : index
    %get3A_7 = arith.constant 0 : index
    %get3A_8 = vector.load %arg3[%get3A_6, %get3A_7] : memref<32x1024xf32, #tpu.memory_space<vmem>>, vector<32x1024xf32>
    %reduce_sum3A = arith.constant dense<0.000000e+00> : vector<1024xf32>
    %reduce_sum3A_9 = vector.multi_reduction <add>, %get3A_8, %reduce_sum3A [0] : vector<32x1024xf32> to vector<1024xf32>
    %add3A = arith.constant 1.000000e+00 : f32
    %add3A_10 = vector.broadcast %add3A : f32 to vector<1024xf32>
    %add3A_11 = arith.addf %reduce_sum3A_9, %add3A_10 : vector<1024xf32>
    %rsqrt3A = math.rsqrt %add3A_11 : vector<1024xf32>
    %broadcast_in_dim3A = vector.shape_cast %rsqrt3A : vector<1024xf32> to vector<1024x1xf32>
    %mul3A = vector.broadcast %broadcast_in_dim3A : vector<1024x1xf32> to vector<1024x256xf32>
    %mul3A_12 = arith.mulf %dot_general3A_5, %mul3A : vector<1024x256xf32>
    %slice3A = vector.extract_strided_slice %mul3A_12 {offsets = [0, 0], sizes = [1024, 128], strides = [1, 1]} : vector<1024x256xf32> to vector<1024x128xf32>
    %swap3A = arith.constant 0 : index
    %swap3A_13 = arith.constant 0 : index
    %swap3A_14 = arith.constant 0 : index
    %swap3A_15 = vector.load %arg4[%swap3A, %swap3A_13, %swap3A_14] : memref<2x1024x128xf32, #tpu.memory_space<vmem>>, vector<1x1024x128xf32>
    %swap3A_16 = vector.shape_cast %swap3A_15 : vector<1x1024x128xf32> to vector<1024x128xf32>
    %swap3A_17 = vector.shape_cast %slice3A : vector<1024x128xf32> to vector<1x1024x128xf32>
    tpu.vector_store %arg4[%swap3A, %swap3A_13, %swap3A_14], %swap3A_17 {strides = array<i32>} : memref<2x1024x128xf32, #tpu.memory_space<vmem>>, vector<1x1024x128xf32>,
    %slice3A_18 = vector.extract_strided_slice %mul3A_12 {offsets = [0, 128], sizes = [1024, 128], strides = [1, 1]} : vector<1024x256xf32> to vector<1024x128xf32>
    %swap3A_19 = arith.constant 1 : index
    %swap3A_20 = arith.constant 0 : index
    %swap3A_21 = arith.constant 0 : index
    %swap3A_22 = vector.load %arg4[%swap3A_19, %swap3A_20, %swap3A_21] : memref<2x1024x128xf32, #tpu.memory_space<vmem>>, vector<1x1024x128xf32>
    %swap3A_23 = vector.shape_cast %swap3A_22 : vector<1x1024x128xf32> to vector<1024x128xf32>
    %swap3A_24 = vector.shape_cast %slice3A_18 : vector<1024x128xf32> to vector<1x1024x128xf32>
    tpu.vector_store %arg4[%swap3A_19, %swap3A_20, %swap3A_21], %swap3A_24 {strides = array<i32>} : memref<2x1024x128xf32, #tpu.memory_space<vmem>>, vector<1x1024x128xf32>,
    return
  }
  func.func @transform_0(%arg0: i32) -> (i32, i32) {
    %c0_i32 = arith.constant 0 : i32
    %c0_i32_0 = arith.constant 0 : i32
    return %arg0, %c0_i32 : i32, i32
  }
  func.func @transform_1(%arg0: i32) -> (i32, i32) {
    %c0_i32 = arith.constant 0 : i32
    %c0_i32_0 = arith.constant 0 : i32
    %c0_i32_1 = arith.constant 0 : i32
    return %c0_i32, %c0_i32_0 : i32, i32
  }
  func.func @transform_2(%arg0: i32) -> (i32, i32) {
    %c0_i32 = arith.constant 0 : i32
    %c0_i32_0 = arith.constant 0 : i32
    return %c0_i32, %arg0 : i32, i32
  }
  func.func @transform_3(%arg0: i32) -> (i32, i32, i32) {
    %c0_i32 = arith.constant 0 : i32
    %c0_i32_0 = arith.constant 0 : i32
    %c0_i32_1 = arith.constant 0 : i32
    return %c0_i32, %arg0, %c0_i32_0 : i32, i32, i32
  }
}

module attributes {stable_mosaic.version = 14 : i64} {
  func.func @body(%arg0: i32, %arg1: memref<2x1024x128xf32, #tpu.memory_space<vmem>>, %arg2: memref<2x1024x128xf32, #tpu.memory_space<vmem>>, %arg3: memref<32x1024xf32, #tpu.memory_space<vmem>>, %arg4: memref<1x256xf32, #tpu.memory_space<vmem>>, %arg5: memref<1024x256xf32, #tpu.memory_space<vmem>>) attributes {dimension_semantics = [#tpu.dimension_semantics<arbitrary>], iteration_bounds = array<i64: 10>, scalar_prefetch = 0 : i64, scratch_operands = 0 : i64, tpu.core_type = #tpu.core_type<tc>, window_params = [{transform_indices = @transform_0, window_bounds = array<i64: 2, 1024, 128>}, {transform_indices = @transform_1, window_bounds = array<i64: 2, 1024, 128>}, {transform_indices = @transform_2, window_bounds = array<i64: 32, 1024>}, {pipeline_mode = #tpu.pipeline_mode<synchronous>, transform_indices = @transform_3, window_bounds = array<i64: 1, 256>}, {transform_indices = @transform_4, window_bounds = array<i64: 1024, 256>}]} {
    %get3A = arith.constant 0 : index
    %get3A_0 = arith.constant 0 : index
    %get3A_1 = vector.load %arg3[%get3A, %get3A_0] : memref<32x1024xf32, #tpu.memory_space<vmem>>, vector<32x1024xf32>
    %reduce_sum3A = arith.constant dense<0.000000e+00> : vector<1024xf32>
    %reduce_sum3A_2 = vector.multi_reduction <add>, %get3A_1, %reduce_sum3A [0] : vector<32x1024xf32> to vector<1024xf32>
    %add3A = arith.constant 1.000000e+00 : f32
    %add3A_3 = vector.broadcast %add3A : f32 to vector<1024xf32>
    %add3A_4 = arith.addf %reduce_sum3A_2, %add3A_3 : vector<1024xf32>
    %rsqrt3A = math.rsqrt %add3A_4 : vector<1024xf32>
    %broadcast_in_dim3A = vector.shape_cast %rsqrt3A : vector<1024xf32> to vector<1024x1xf32>
    %get3A_5 = arith.constant 0 : index
    %get3A_6 = arith.constant 0 : index
    %get3A_7 = arith.constant 0 : index
    %get3A_8 = vector.load %arg1[%get3A_5, %get3A_6, %get3A_7] : memref<2x1024x128xf32, #tpu.memory_space<vmem>>, vector<1x1024x128xf32>
    %get3A_9 = vector.shape_cast %get3A_8 : vector<1x1024x128xf32> to vector<1024x128xf32>
    %get3A_10 = arith.constant 0 : index
    %get3A_11 = arith.constant 0 : index
    %get3A_12 = arith.constant 0 : index
    %get3A_13 = vector.load %arg2[%get3A_10, %get3A_11, %get3A_12] : memref<2x1024x128xf32, #tpu.memory_space<vmem>>, vector<1x1024x128xf32>
    %get3A_14 = vector.shape_cast %get3A_13 : vector<1x1024x128xf32> to vector<1024x128xf32>
    %add3A_15 = arith.addf %get3A_9, %get3A_14 : vector<1024x128xf32>
    %mul3A = vector.broadcast %broadcast_in_dim3A : vector<1024x1xf32> to vector<1024x128xf32>
    %mul3A_16 = arith.mulf %add3A_15, %mul3A : vector<1024x128xf32>
    %get3A_17 = arith.constant 1 : index
    %get3A_18 = arith.constant 0 : index
    %get3A_19 = arith.constant 0 : index
    %get3A_20 = vector.load %arg1[%get3A_17, %get3A_18, %get3A_19] : memref<2x1024x128xf32, #tpu.memory_space<vmem>>, vector<1x1024x128xf32>
    %get3A_21 = vector.shape_cast %get3A_20 : vector<1x1024x128xf32> to vector<1024x128xf32>
    %get3A_22 = arith.constant 1 : index
    %get3A_23 = arith.constant 0 : index
    %get3A_24 = arith.constant 0 : index
    %get3A_25 = vector.load %arg2[%get3A_22, %get3A_23, %get3A_24] : memref<2x1024x128xf32, #tpu.memory_space<vmem>>, vector<1x1024x128xf32>
    %get3A_26 = vector.shape_cast %get3A_25 : vector<1x1024x128xf32> to vector<1024x128xf32>
    %add3A_27 = arith.addf %get3A_21, %get3A_26 : vector<1024x128xf32>
    %mul3A_28 = vector.broadcast %broadcast_in_dim3A : vector<1024x1xf32> to vector<1024x128xf32>
    %mul3A_29 = arith.mulf %add3A_27, %mul3A_28 : vector<1024x128xf32>
    %concatenate3A = tpu.concatenate %mul3A_16, %mul3A_29 in 1 : vector<1024x128xf32>, vector<1024x128xf32> -> vector<1024x256xf32>
    %get3A_30 = arith.constant 0 : index
    %get3A_31 = arith.constant 0 : index
    %get3A_32 = vector.load %arg4[%get3A_30, %get3A_31] : memref<1x256xf32, #tpu.memory_space<vmem>>, vector<1x256xf32>
    %add3A_33 = vector.broadcast %get3A_32 : vector<1x256xf32> to vector<1024x256xf32>
    %add3A_34 = arith.addf %concatenate3A, %add3A_33 : vector<1024x256xf32>
    %max3A = arith.constant 0.000000e+00 : f32
    %max3A_35 = vector.broadcast %max3A : f32 to vector<1024x256xf32>
    %max3A_36 = arith.maximumf %add3A_34, %max3A_35 : vector<1024x256xf32>
    %swap3A = arith.constant 0 : index
    %swap3A_37 = arith.constant 0 : index
    %swap3A_38 = vector.load %arg5[%swap3A, %swap3A_37] : memref<1024x256xf32, #tpu.memory_space<vmem>>, vector<1024x256xf32>
    tpu.vector_store %arg5[%swap3A, %swap3A_37], %max3A_36 {strides = array<i32>} : memref<1024x256xf32, #tpu.memory_space<vmem>>, vector<1024x256xf32>,
    return
  }
  func.func @transform_0(%arg0: i32) -> (i32, i32, i32) {
    %c0_i32 = arith.constant 0 : i32
    %c0_i32_0 = arith.constant 0 : i32
    %c0_i32_1 = arith.constant 0 : i32
    return %c0_i32, %arg0, %c0_i32_0 : i32, i32, i32
  }
  func.func @transform_1(%arg0: i32) -> (i32, i32, i32) {
    %c0_i32 = arith.constant 0 : i32
    %c0_i32_0 = arith.constant 0 : i32
    %c0_i32_1 = arith.constant 0 : i32
    return %c0_i32, %arg0, %c0_i32_0 : i32, i32, i32
  }
  func.func @transform_2(%arg0: i32) -> (i32, i32) {
    %c0_i32 = arith.constant 0 : i32
    %c0_i32_0 = arith.constant 0 : i32
    return %c0_i32, %arg0 : i32, i32
  }
  func.func @transform_3(%arg0: i32) -> (i32, i32) {
    %c0_i32 = arith.constant 0 : i32
    %c0_i32_0 = arith.constant 0 : i32
    %c0_i32_1 = arith.constant 0 : i32
    return %c0_i32, %c0_i32_0 : i32, i32
  }
  func.func @transform_4(%arg0: i32) -> (i32, i32) {
    %c0_i32 = arith.constant 0 : i32
    %c0_i32_0 = arith.constant 0 : i32
    return %arg0, %c0_i32 : i32, i32
  }
}

</mosaic_0001>

<sc_bundles>
// kernel: kernel.6.cloned.1.call-start
scs
__scs_entry_jumppad:
0x0: {  	(pc) =	sbr.rel $0x88, $3  }
0x1: {  	(tag) =	ssettag $0x0;
	lr =	simm.s32 $0x1  }
0x2: {  	[smem:$0x3F9D] =	sst lr;
	_ =	strace $0xD0000000  }
0x3: {  	_ = 	snop  }
0x4: {  	_ = 	snop  }
0x5: {  	_ = 	snop  }
0x6: {  	_ = 	snop  }
0x7: {  	_ = 	snop  }
__scs_overlays_trampoline_lowered:
0x8: {  	[smem:$0x3FAC] =	sst s0  }
0x9: {  	[smem:$0x3FAD] =	sst s1  }
0xa: {  	[smem:$0x3FAE] =	sst s2  }
0xb: {  	[smem:$0x3FAF] =	sst s3  }
0xc: {  	[smem:$0x3FB0] =	sst s4  }
0xd: {  	[smem:$0x3FB1] =	sst s5  }
0xe: {  	[smem:$0x3FB2] =	sst s6  }
0xf: {  	[smem:$0x3FB3] =	sst s7  }
0x10: {  	[smem:$0x3FB4] =	sst s8  }
0x11: {  	[smem:$0x3FB5] =	sst s9;
	s0 =	simm.s32 @!p0 $0x0  }
0x12: {  	s1 =	sld [smem:$0x3F9B];
	s0 =	simm.s32 @p0 $0x1  }
0x13: {  	[smem:$0x3FB6] =	sst s0;
	s0 =	simm.s32 @!p1 $0x0  }
0x14: {  	s2 =	sld [smem:$0x3F9A];
	s0 =	simm.s32 @p1 $0x1  }
0x15: {  	[smem:$0x3FB7] =	sst s0;
	s0 =	simm.s32 @!p2 $0x0  }
0x16: {  	s3 =	sld [smem:$0x3FDB];
	s0 =	simm.s32 @p2 $0x1  }
0x17: {  	s4 =	simm.s32 $0x1BF5;
	[smem:$0x3FB9] =	sst s0  }
0x18: {  	s0 =	sld [smem:$0x3F9C];
	_ =	swait.ge [sflag:s4], $0x0  }
0x19: {  	s7 =	sld [smem:$0x3F9D]  }
0x1a: {  	s8 =	sadd.s32 $0xFFFFE003, lr  }
0x1b: {  	s9 =	sadd.s32 $0xFFFFFEF7, lr;
	s5 =	simm.s32 $0xFFFFFFFF;
	p2 =	slt.u32 s8, $0xFFFFF086  }
0x1c: {  	p1 =	slt.u32 s9, $0xF7A;
	s5 =	simm.s32 @!p2 $0x0  }
0x1d: {  	s5 =	simm.s32 @p1 $0x1;
	p0 =	seq.s32 s7, s2  }
0x1e: {  	s7 =	smul.u32 @!p0 $0xF7A, s2;
	p2 =	seq.s32 @!p0 s5, $0x0  }
0x1f: {  	s9 =	smul.u32 $0xF7A, s1;
	s8 =	simm.s32 @!p0 $0x1BF5;
	p2 =	por !p2, p0  }
0x20: {  	[sflag:s8] =	ssyncset.s32 @!p0 $0xFFFFF086;
	s6 =	sadd.s32 @!p0 s3, s7;
	s7 =	simm.s32 @!p0 $0x108  }
0x21: {  	s3 =	sadd.s32 s3, s9;
	s6 =	sadd.s32 @!p0 $0x88, s6;
	s7 =	simm.s32 @p2 $0x1082  }
0x22: {  	[simem:s7], [sflag:s8] =	dma.local @!p0 [hbm:s6], $0xF7A  }
0x23: {  	s9 =	sor.u32 $0xD0000000, s2;
	s6 =	simm.s32 $0x108;
	_ =	swait.ge @!p0 [sflag:s8], $0x0  }
0x24: {  	s3 =	sadd.s32 $0x88, s3;
	s6 =	simm.s32 @!p1 $0x1082;
	[sflag:s4] =	ssyncset.s32 $0xFFFFF086  }
0x25: {  	[simem:s6], [sflag:s4] =	dma.local [hbm:s3], $0xF7A  }
0x26: {  	[smem:$0x3F9D] =	sst s1;
	(tag) =	ssettag s2;
	_ =	strace s9  }
0x27: {  	s1 =	sld [smem:$0x3FAD]  }
0x28: {  	s2 =	sld [smem:$0x3FAE]  }
0x29: {  	s4 =	sld [smem:$0x3FB0]  }
0x2a: {  	p0 =	seq.s32 s5, $0x0;
	s5 =	sld [smem:$0x3FB1]  }
0x2b: {  	s6 =	sld [smem:$0x3FB2]  }
0x2c: {  	s7 =	sld [smem:$0x3FB3]  }
0x2d: {  	s3 =	simm.s32 $0x108;
	s8 =	sld [smem:$0x3FB4]  }
0x2e: {  	s3 =	simm.s32 @!p0 $0x1082;
	s9 =	sld [smem:$0x3FB5]  }
0x2f: {  	lr =	sadd.s32 s0, s3;
	s0 =	sld [smem:$0x3FAC]  }
0x30: {  	s3 =	sld [smem:$0x3FAF]  }
0x31: {  	[smem:$0x3FB8] =	sst s10  }
0x32: {  	s10 =	sld [smem:$0x3FB6];
	_ =	sdelay $0x3  }
0x33: {  	p0 =	seq.s32 s10, $0x1;
	s10 =	sld [smem:$0x3FB8];
	_ =	sdelay $0x3  }
0x34: {  	[smem:$0x3FB8] =	sst s10  }
0x35: {  	s10 =	sld [smem:$0x3FB7];
	_ =	sdelay $0x3  }
0x36: {  	p1 =	seq.s32 s10, $0x1;
	s10 =	sld [smem:$0x3FB8];
	_ =	sdelay $0x3  }
0x37: {  	[smem:$0x3FB8] =	sst s10  }
0x38: {  	s10 =	sld [smem:$0x3FB9]  }
0x39: {  	_ = 	snop;
	(pc) =	sbr.ind lr, $3  }
0x3a: {  	_ = 	snop  }
0x3b: {  	_ = 	snop  }
0x3c: {  	p2 =	seq.s32 s10, $0x1;
	s10 =	sld [smem:$0x3FB8]  }
0x3d: {  	_ =	shalt  }
0x3e: {  	_ =	shalt  }
0x3f: {  	_ =	shalt  }
0x40: {  	_ =	shalt  }
0x41: {  	_ =	shalt  }
0x42: {  	_ =	shalt  }
0x43: {  	_ =	shalt  }
0x44: {  	_ =	shalt  }
0x45: {  	_ =	shalt  }
0x46: {  	_ =	shalt  }
0x47: {  	_ =	shalt  }
0x48: {  	_ =	shalt  }
0x49: {  	_ =	shalt  }
0x4a: {  	_ =	shalt  }
0x4b: {  	_ =	shalt  }
0x4c: {  	_ =	shalt  }
0x4d: {  	_ =	shalt  }
0x4e: {  	_ =	shalt  }
0x4f: {  	_ =	shalt  }
0x50: {  	_ =	shalt  }
0x51: {  	_ =	shalt  }
0x52: {  	_ =	shalt  }
0x53: {  	_ =	shalt  }
0x54: {  	_ =	shalt  }
0x55: {  	_ =	shalt  }
0x56: {  	_ =	shalt  }
0x57: {  	_ =	shalt  }
0x58: {  	_ =	shalt  }
0x59: {  	_ =	shalt  }
0x5a: {  	_ =	shalt  }
0x5b: {  	_ =	shalt  }
0x5c: {  	_ =	shalt  }
0x5d: {  	_ =	shalt  }
0x5e: {  	_ =	shalt  }
0x5f: {  	_ =	shalt  }
0x60: {  	_ =	shalt  }
0x61: {  	_ =	shalt  }
0x62: {  	_ =	shalt  }
0x63: {  	_ =	shalt  }
0x64: {  	_ =	shalt  }
0x65: {  	_ =	shalt  }
0x66: {  	_ =	shalt  }
0x67: {  	_ =	shalt  }
0x68: {  	_ =	shalt  }
0x69: {  	_ =	shalt  }
0x6a: {  	_ =	shalt  }
0x6b: {  	_ =	shalt  }
0x6c: {  	_ =	shalt  }
0x6d: {  	_ =	shalt  }
0x6e: {  	_ =	shalt  }
0x6f: {  	_ =	shalt  }
0x70: {  	_ =	shalt  }
0x71: {  	_ =	shalt  }
0x72: {  	_ =	shalt  }
0x73: {  	_ =	shalt  }
0x74: {  	_ =	shalt  }
0x75: {  	_ =	shalt  }
0x76: {  	_ =	shalt  }
0x77: {  	_ =	shalt  }
0x78: {  	_ =	shalt  }
0x79: {  	_ =	shalt  }
0x7a: {  	_ =	shalt  }
0x7b: {  	_ =	shalt  }
0x7c: {  	_ =	shalt  }
0x7d: {  	_ =	shalt  }
0x7e: {  	_ =	shalt  }
0x7f: {  	_ =	shalt  }
0x80: {  	_ =	shalt  }
0x81: {  	_ =	shalt  }
0x82: {  	_ =	shalt  }
0x83: {  	_ =	shalt  }
0x84: {  	_ =	shalt  }
0x85: {  	_ =	shalt  }
0x86: {  	_ =	shalt  }
0x87: {  	_ =	shalt  }
.Lfunc_end0:
.L_simem_size_0:
called_computation_lowered:
.L_overlay_start_0:
0x88: {  	s2 =	sld [smem:$0x3FD9]  }
0x89: {  	s3 =	sld [smem:$0x3FFE];
	_ =	sdelay $0x1  }
0x8a: {  	s1 =	srdreg.scid  }
0x8b: {  	s0 =	sand.u32 $0x1, s1  }
0x8c: {  	s17 =	sshll.u32 s0, $0xA;
	s2 =	sadd.s32 s3, s2  }
0x8d: {  	s2 =	sadd.s32 s2, s17  }
0x8e: {  	[smem:$0x3FC4] =	sst s2  }
0x8f: {  	_ = 	snop  }
0x90: {  	s2 =	sld [smem:$0x3FD0];
	(tm) =	ssettm $0x1  }
0x91: {  	s18 =	sld [smem:$0x3FFB];
	_ =	sdelay $0x3  }
0x92: {  	_ =	strace s18  }
0x93: {  	s3 =	sld [smem:$0x3FFC];
	_ =	sdelay $0x3  }
0x94: {  	_ =	strace s3  }
0x95: {  	s3 =	sld [smem:$0x3FFD];
	_ =	sdelay $0x3  }
0x96: {  	_ =	strace s3  }
0x97: {  	_ =	strace $0x8FFFFFFF  }
0x98: {  	s19 =	sld [smem:$0x3FDB];
	_ =	sdelay $0x1  }
0x99: {  	s4 =	simm.s32 $_scs_section_size  }
0x9a: {  	s5 =	simm.s32 $_size__tile_overlayer_lowered;
	s6 =	simm.s32 $_tile_overlayer_lowered  }
0x9b: {  	s22 =	simm.s32 $0x1BFF;
	s21 =	sshll.u32 s6, $0x1;
	s3 =	sadd.s32 s4, s19  }
0x9c: {  	s7 =	simm.s32 $0x0;
	s20 =	sshll.u32 s5, $0x1;
	s5 =	sadd.s32 s21, s3  }
0x9d: {  	[timem:s7], [sflag:s22] =	dma.local [hbm:s5], s20  }
0x9e: {  	_ =	swait.ge [sflag:s22], s20  }
0x9f: {  	s4 =	ssub.s32 $0x0, s20;
	[sflag:s22] =	ssyncset.done $0x0  }
0xa0: {  	[sflag:s22] =	ssyncadd.s32 s4;
	_ =	sdelay $0x1  }
0xa1: {  	s23 =	simm.s32 $0x1B8B  }
0xa2: {  	_ =	swait.ge [sflag:s23], $0x1  }
0xa3: {  	[sflag:s23] =	ssyncset.done $0x0  }
0xa4: {  	s25 =	simm.s32 $0x1B8E;
	s24 =	sld [smem:$0x3FFE];
	[sflag:s23] =	ssyncadd.s32 $0xFFFFFFFF  }
0xa5: {  	s26 =	simm.s32 $execute0_lowered;
	[smem:$0x3FD2] =	sst s25  }
0xa6: {  	s5 =	sshll.u32 s26, $0x1;
	_ =	strace $0x80000046;
	[dreg:$0x1] =	wrdreg $0xFFFFFFFF  }
0xa7: {  	s28 =	simm.s32 $_size_execute0_lowered;
	s3 =	sadd.s32 s3, s5;
	[dreg:$0x0] =	wrdreg $0x0  }
0xa8: {  	s5 =	sshll.u32 s28, $0x1;
	[dreg:$0x2] =	wrdreg s3  }
0xa9: {  	[dreg:$0x3] =	wrdreg s5  }
0xaa: {  	[dreg:$0x4] =	wrdreg $0xC0  }
0xab: {  	_ =	task [dreg:s7], $0x5FFFF  }
0xac: {  	[dreg:$0x1] =	wrdreg $0xFFFFFFFF  }
0xad: {  	[dreg:$0x0] =	wrdreg $0x60  }
0xae: {  	[dreg:$0x2] =	wrdreg s24  }
0xaf: {  	[dreg:$0x3] =	wrdreg s2  }
0xb0: {  	[dreg:$0x4] =	wrdreg $0x9  }
0xb1: {  	_ =	task.clear_ibuf [dreg:s7], $0x5FFFF;
	_ =	strace $0x90000046  }
0xb2: {  	s29 =	simm.s32 $0x9;
	_ =	strace $0x80000048  }
0xb3: {  	_ =	swait.ge [sflag:s29], $0x1  }
0xb4: {  	[sflag:s29] =	ssyncadd.s32 $0xFFFFFFFF  }
0xb5: {  	_ =	strace $0x90000048  }
0xb6: {  	_ =	sfence  }
0xb7: {  	s30 =	sld [smem:$0x0];
	_ =	sdelay $0x2  }
0xb8: {  	s31 =	sshll.u32 s1, $0xD;
	s1 =	sshrl.u32 s1, $0x2  }
0xb9: {  	s3 =	sand.u32 $0x4000, s31;
	s1 =	sadd.s32 s1, s30  }
0xba: {  	s0 =	sor.u32 s3, s0;
	s1 =	sshll.u32 s1, $0x11  }
0xbb: {  	s0 =	sor.u32 s1, s0  }
0xbc: {  	s0 =	sadd.s32 $0x8F2B, s0  }
0xbd: {  	[sflag:s0] =	ssyncadd.remote.s32 $0x1  }
0xbe: {  	_ =	sfence.sel $0xFFFF  }
0xbf: {  	[dreg:$0x0] =	wrdreg $0xFFFFFFFF;
	(pc) =	sbr.abs _section_cstart, $3  }
0xc0: {  	[dreg:$0x1] =	wrdreg $0xFFFFFFFF  }
0xc1: {  	_ =	task.clear_ibuf [dreg:s7], $0x2FFFF;
	_ =	strace $0x9FFFFFFF  }
0xc2: {  	(tm) =	ssettm $0x7FFFFFFF  }
0xc3: {  	_ =	shalt  }
tec
execute0_lowered:
.L_overlay_start_1:
0x0: {  	(tag) =	ssettag $0x1  }
0x1: {  	s3 =	rddreg [dreg:$0x0]  }
0x2: {  	s1 =	srdreg.scid;
	s0 =	stileid.u32  }
0x3: {  	s4 =	rddreg [dreg:$0x1];
	s9 =	simm.s32 $0x400;
	s10 =	simm.s32 $0x0  }
0x4: {  	s5 =	sand.u32 $0x1, s1;
	s2 =	sshll.u32 s0, $0x1;
	s1 =	rddreg [dreg:$0x2]  }
0x5: {  	s7 =	sshrl.u32 s0, $0x2;
	s6 =	sor.u32 s5, s2;
	s2 =	simm.s32 $0x0  }
0x6: {  	s7 =	smul.u32 $0x14000, s7;
	s5 =	ssub.s32 $0x2, s5;
	s8 =	sshll.u32 s6, $0x7  }
0x7: {  	[smem:$0x7FF] =	sst s2;
	s6 =	smul.u32 $0x280, s6;
	s31 =	sshrl.u32 s5, $0x1  }
0x8: {  	s8 =	sand.u32 $0x380, s8;
	_ =	strace $0x80000047;
	s5 =	ssub.s32 s5, s31  }
0x9: {  	s7 =	sor.u32 s7, s8;
	s3 =	sadd.s32 s6, s3;
	s5 =	smax.u32 s5, $0x1  }
0xa: {  	s6 =	simm.s32 $0x1;
	s8 =	simm.s32 $0x80;
	s7 =	sshrl.u32 s7, $0x3  }
0xb: {  	v0 =	vimm.f32 $0.0e+00;
	v1 =	vimm.f32 $1.000000000e+00;
	s3 =	sadd.s32 $0x2600, s3;
	s4 =	sadd.s32 s4, s7;
	s7 =	simm.s32 $0x1400  }
.LBB2_1:
0xc: {  	[tilespmem:s2], [sflag:$0x1] =	stream.linear.gather [hbm4b:s3+s2], $0x1400, $0x38;
	[tilespmem:$0x3C00] =	vst v63  }
0xd: {  	_ =	swait.ge [sflag:s6], $0x1400  }
0xe: {  	[sflag:s6] =	ssyncset.done $0x0  }
0xf: {  	s11 =	simm.s32 $0x0;
	[sflag:s6] =	ssyncadd.s32 $0xFFFFEC00  }
.LBB2_2:
0x10: {  	p0 =	sne.s32 s11, $0x9FC0  }
.Ltmp0:
0x11: {  	_ = 	snop;
	(pc) =	sbr.rel @p0 .LBB2_2-.Ltmp0, $3  }
0x12: {  	_ =	sdelay $0x1  }
0x13: {  	s12 =	sshra.s32 s11, $0x2  }
0x14: {  	s11 =	sadd.s32 $0x40, s11;
	[tilespmem:s12+$0x1400] =	vst v0  }
0x15: {  	s12 =	simm.s32 $0x0;
	s11 =	simm.s32 $0x40  }
.LBB2_4:
0x16: {  	p0 =	sne.s32 s11, $0x4FC0;
	v2 =	vld [tilespmem:s12+$0x0];
	_ =	sdelay $0x3  }
.Ltmp1:
0x17: {  	(pc) =	sbr.rel @p0 .LBB2_4-.Ltmp1, $2  }
0x18: {  	_ =	sdelay $0x2  }
0x19: {  	s12 =	sshra.s32 s11, $0x2;
	s11 =	sadd.s32 $0x40, s11;
	[tilespmem:v2+s7+$0x0] =	vst.idx.add.f32.msk $0xffff, v1  }
0x1a: {  	v2 =	vld [tilespmem:s12+$0x0];
	_ =	sdelay $0x5  }
0x1b: {  	s10 =	sadd.s32 $0x1, s10  }
0x1c: {  	p0 =	sne.s32 s10, s5  }
.Ltmp2:
0x1d: {  	[tilespmem:v2+s7+$0x0] =	vst.idx.add.f32.msk $0xffff, v1;
	(pc) =	sbr.rel @p0 .LBB2_1-.Ltmp2, $4  }
0x1e: {  	[hbm4b:s4+s8] =	stream.strided.scatter [tilespmem:s7], [sflag:$0x1], $0x2800, s9, s8, $0x38;
	[tilespmem:$0x3C00] =	vst v63  }
0x1f: {  	_ =	swait.ge [sflag:s6], $0x2800  }
0x20: {  	[sflag:s6] =	ssyncset.done $0x0  }
0x21: {  	[sflag:s6] =	ssyncadd.s32 $0xFFFFD800  }
0x22: {  	_ =	sfence.sel $0x180000  }
0x23: {  	[bflag:$0x0] =	sbarrier.arrive $0xFFFF  }
0x24: {  	p0 =	sne.s32 s0, $0x0;
	_ =	strace $0x90000047  }
0x25: {  	s0 =	sadd.s32 @!p0 $0x100000, s1;
	[bflag:$0x2] =	sbarrier.arrive $0xFFFF  }
0x26: {  	[sflag:s0] =	ssyncadd.tile.s32 @!p0 $0x1;
	_ =	shalt  }
.Lfunc_end2:
_tile_overlayer_lowered:
.L_overlay_start_2:
0x27: {  	(tag) =	ssettag $0x2  }
0x28: {  	s0 =	rddreg [dreg:$0x0];
	s2 =	stileid.u32  }
0x29: {  	s1 =	rddreg [dreg:$0x1];
	p0 =	sne.s32 s2, $0x0  }
0x2a: {  	s3 =	rddreg [dreg:$0x2];
	[bflag:$0x3] =	sbarrier.arrive $0xFFFF;
	s2 =	simm.s32 @!p0 $0x1C01  }
0x2b: {  	[timem:s3], [sflag:s2] =	dma.local @!p0 [hbm:s0], s1  }
0x2c: {  	s0 =	simm.s32 @!p0 $0x1  }
0x2d: {  	_ =	swait.ge @!p0 [sflag:s0], s1  }
0x2e: {  	s1 =	ssub.s32 @!p0 $0x0, s1;
	[sflag:s0] =	ssyncset.done @!p0 $0x0  }
0x2f: {  	[sflag:s0] =	ssyncadd.s32 @!p0 s1  }
0x30: {  	[bflag:$0x3] =	sbarrier.arrive $0xFFFF  }
0x31: {  	_ =	shalt  }

// kernel: kernel.9.cloned.1.call-start
scs
__scs_entry_jumppad:
0x0: {  	(pc) =	sbr.rel $0x88, $3  }
0x1: {  	(tag) =	ssettag $0x0;
	lr =	simm.s32 $0x1  }
0x2: {  	[smem:$0x3F9D] =	sst lr;
	_ =	strace $0xD0000000  }
0x3: {  	_ = 	snop  }
0x4: {  	_ = 	snop  }
0x5: {  	_ = 	snop  }
0x6: {  	_ = 	snop  }
0x7: {  	_ = 	snop  }
__scs_overlays_trampoline_lowered:
0x8: {  	[smem:$0x3FAC] =	sst s0  }
0x9: {  	[smem:$0x3FAD] =	sst s1  }
0xa: {  	[smem:$0x3FAE] =	sst s2  }
0xb: {  	[smem:$0x3FAF] =	sst s3  }
0xc: {  	[smem:$0x3FB0] =	sst s4  }
0xd: {  	[smem:$0x3FB1] =	sst s5  }
0xe: {  	[smem:$0x3FB2] =	sst s6  }
0xf: {  	[smem:$0x3FB3] =	sst s7  }
0x10: {  	[smem:$0x3FB4] =	sst s8  }
0x11: {  	[smem:$0x3FB5] =	sst s9;
	s0 =	simm.s32 @!p0 $0x0  }
0x12: {  	s1 =	sld [smem:$0x3F9B];
	s0 =	simm.s32 @p0 $0x1  }
0x13: {  	[smem:$0x3FB6] =	sst s0;
	s0 =	simm.s32 @!p1 $0x0  }
0x14: {  	s2 =	sld [smem:$0x3F9A];
	s0 =	simm.s32 @p1 $0x1  }
0x15: {  	[smem:$0x3FB7] =	sst s0;
	s0 =	simm.s32 @!p2 $0x0  }
0x16: {  	s3 =	sld [smem:$0x3FDB];
	s0 =	simm.s32 @p2 $0x1  }
0x17: {  	s4 =	simm.s32 $0x1BF5;
	[smem:$0x3FB9] =	sst s0  }
0x18: {  	s0 =	sld [smem:$0x3F9C];
	_ =	swait.ge [sflag:s4], $0x0  }
0x19: {  	s7 =	sld [smem:$0x3F9D]  }
0x1a: {  	s8 =	sadd.s32 $0xFFFFE003, lr  }
0x1b: {  	s9 =	sadd.s32 $0xFFFFFEF7, lr;
	s5 =	simm.s32 $0xFFFFFFFF;
	p2 =	slt.u32 s8, $0xFFFFF086  }
0x1c: {  	p1 =	slt.u32 s9, $0xF7A;
	s5 =	simm.s32 @!p2 $0x0  }
0x1d: {  	s5 =	simm.s32 @p1 $0x1;
	p0 =	seq.s32 s7, s2  }
0x1e: {  	s7 =	smul.u32 @!p0 $0xF7A, s2;
	p2 =	seq.s32 @!p0 s5, $0x0  }
0x1f: {  	s9 =	smul.u32 $0xF7A, s1;
	s8 =	simm.s32 @!p0 $0x1BF5;
	p2 =	por !p2, p0  }
0x20: {  	[sflag:s8] =	ssyncset.s32 @!p0 $0xFFFFF086;
	s6 =	sadd.s32 @!p0 s3, s7;
	s7 =	simm.s32 @!p0 $0x108  }
0x21: {  	s3 =	sadd.s32 s3, s9;
	s6 =	sadd.s32 @!p0 $0x88, s6;
	s7 =	simm.s32 @p2 $0x1082  }
0x22: {  	[simem:s7], [sflag:s8] =	dma.local @!p0 [hbm:s6], $0xF7A  }
0x23: {  	s9 =	sor.u32 $0xD0000000, s2;
	s6 =	simm.s32 $0x108;
	_ =	swait.ge @!p0 [sflag:s8], $0x0  }
0x24: {  	s3 =	sadd.s32 $0x88, s3;
	s6 =	simm.s32 @!p1 $0x1082;
	[sflag:s4] =	ssyncset.s32 $0xFFFFF086  }
0x25: {  	[simem:s6], [sflag:s4] =	dma.local [hbm:s3], $0xF7A  }
0x26: {  	[smem:$0x3F9D] =	sst s1;
	(tag) =	ssettag s2;
	_ =	strace s9  }
0x27: {  	s1 =	sld [smem:$0x3FAD]  }
0x28: {  	s2 =	sld [smem:$0x3FAE]  }
0x29: {  	s4 =	sld [smem:$0x3FB0]  }
0x2a: {  	p0 =	seq.s32 s5, $0x0;
	s5 =	sld [smem:$0x3FB1]  }
0x2b: {  	s6 =	sld [smem:$0x3FB2]  }
0x2c: {  	s7 =	sld [smem:$0x3FB3]  }
0x2d: {  	s3 =	simm.s32 $0x108;
	s8 =	sld [smem:$0x3FB4]  }
0x2e: {  	s3 =	simm.s32 @!p0 $0x1082;
	s9 =	sld [smem:$0x3FB5]  }
0x2f: {  	lr =	sadd.s32 s0, s3;
	s0 =	sld [smem:$0x3FAC]  }
0x30: {  	s3 =	sld [smem:$0x3FAF]  }
0x31: {  	[smem:$0x3FB8] =	sst s10  }
0x32: {  	s10 =	sld [smem:$0x3FB6];
	_ =	sdelay $0x3  }
0x33: {  	p0 =	seq.s32 s10, $0x1;
	s10 =	sld [smem:$0x3FB8];
	_ =	sdelay $0x3  }
0x34: {  	[smem:$0x3FB8] =	sst s10  }
0x35: {  	s10 =	sld [smem:$0x3FB7];
	_ =	sdelay $0x3  }
0x36: {  	p1 =	seq.s32 s10, $0x1;
	s10 =	sld [smem:$0x3FB8];
	_ =	sdelay $0x3  }
0x37: {  	[smem:$0x3FB8] =	sst s10  }
0x38: {  	s10 =	sld [smem:$0x3FB9]  }
0x39: {  	_ = 	snop;
	(pc) =	sbr.ind lr, $3  }
0x3a: {  	_ = 	snop  }
0x3b: {  	_ = 	snop  }
0x3c: {  	p2 =	seq.s32 s10, $0x1;
	s10 =	sld [smem:$0x3FB8]  }
0x3d: {  	_ =	shalt  }
0x3e: {  	_ =	shalt  }
0x3f: {  	_ =	shalt  }
0x40: {  	_ =	shalt  }
0x41: {  	_ =	shalt  }
0x42: {  	_ =	shalt  }
0x43: {  	_ =	shalt  }
0x44: {  	_ =	shalt  }
0x45: {  	_ =	shalt  }
0x46: {  	_ =	shalt  }
0x47: {  	_ =	shalt  }
0x48: {  	_ =	shalt  }
0x49: {  	_ =	shalt  }
0x4a: {  	_ =	shalt  }
0x4b: {  	_ =	shalt  }
0x4c: {  	_ =	shalt  }
0x4d: {  	_ =	shalt  }
0x4e: {  	_ =	shalt  }
0x4f: {  	_ =	shalt  }
0x50: {  	_ =	shalt  }
0x51: {  	_ =	shalt  }
0x52: {  	_ =	shalt  }
0x53: {  	_ =	shalt  }
0x54: {  	_ =	shalt  }
0x55: {  	_ =	shalt  }
0x56: {  	_ =	shalt  }
0x57: {  	_ =	shalt  }
0x58: {  	_ =	shalt  }
0x59: {  	_ =	shalt  }
0x5a: {  	_ =	shalt  }
0x5b: {  	_ =	shalt  }
0x5c: {  	_ =	shalt  }
0x5d: {  	_ =	shalt  }
0x5e: {  	_ =	shalt  }
0x5f: {  	_ =	shalt  }
0x60: {  	_ =	shalt  }
0x61: {  	_ =	shalt  }
0x62: {  	_ =	shalt  }
0x63: {  	_ =	shalt  }
0x64: {  	_ =	shalt  }
0x65: {  	_ =	shalt  }
0x66: {  	_ =	shalt  }
0x67: {  	_ =	shalt  }
0x68: {  	_ =	shalt  }
0x69: {  	_ =	shalt  }
0x6a: {  	_ =	shalt  }
0x6b: {  	_ =	shalt  }
0x6c: {  	_ =	shalt  }
0x6d: {  	_ =	shalt  }
0x6e: {  	_ =	shalt  }
0x6f: {  	_ =	shalt  }
0x70: {  	_ =	shalt  }
0x71: {  	_ =	shalt  }
0x72: {  	_ =	shalt  }
0x73: {  	_ =	shalt  }
0x74: {  	_ =	shalt  }
0x75: {  	_ =	shalt  }
0x76: {  	_ =	shalt  }
0x77: {  	_ =	shalt  }
0x78: {  	_ =	shalt  }
0x79: {  	_ =	shalt  }
0x7a: {  	_ =	shalt  }
0x7b: {  	_ =	shalt  }
0x7c: {  	_ =	shalt  }
0x7d: {  	_ =	shalt  }
0x7e: {  	_ =	shalt  }
0x7f: {  	_ =	shalt  }
0x80: {  	_ =	shalt  }
0x81: {  	_ =	shalt  }
0x82: {  	_ =	shalt  }
0x83: {  	_ =	shalt  }
0x84: {  	_ =	shalt  }
0x85: {  	_ =	shalt  }
0x86: {  	_ =	shalt  }
0x87: {  	_ =	shalt  }
.Lfunc_end0:
.L_simem_size_0:
called_computation.1_lowered:
.L_overlay_start_0:
0x88: {  	s2 =	sld [smem:$0x3FD9]  }
0x89: {  	s3 =	sld [smem:$0x3FFE];
	_ =	sdelay $0x1  }
0x8a: {  	s1 =	srdreg.scid  }
0x8b: {  	s0 =	sand.u32 $0x1, s1  }
0x8c: {  	s17 =	sshll.u32 s0, $0xA;
	s2 =	sadd.s32 s3, s2  }
0x8d: {  	s2 =	sadd.s32 s2, s17  }
0x8e: {  	[smem:$0x3FC4] =	sst s2  }
0x8f: {  	_ = 	snop  }
0x90: {  	s2 =	sld [smem:$0x3FD0];
	(tm) =	ssettm $0x1  }
0x91: {  	s18 =	sld [smem:$0x3FFB];
	_ =	sdelay $0x3  }
0x92: {  	_ =	strace s18  }
0x93: {  	s3 =	sld [smem:$0x3FFC];
	_ =	sdelay $0x3  }
0x94: {  	_ =	strace s3  }
0x95: {  	s3 =	sld [smem:$0x3FFD];
	_ =	sdelay $0x3  }
0x96: {  	_ =	strace s3  }
0x97: {  	_ =	strace $0x8FFFFFFF  }
0x98: {  	s19 =	sld [smem:$0x3FDB];
	_ =	sdelay $0x1  }
0x99: {  	s4 =	simm.s32 $_scs_section_size  }
0x9a: {  	s5 =	simm.s32 $_size__tile_overlayer_lowered;
	s6 =	simm.s32 $_tile_overlayer_lowered  }
0x9b: {  	s22 =	simm.s32 $0x1BFF;
	s21 =	sshll.u32 s6, $0x1;
	s3 =	sadd.s32 s4, s19  }
0x9c: {  	s7 =	simm.s32 $0x0;
	s20 =	sshll.u32 s5, $0x1;
	s5 =	sadd.s32 s21, s3  }
0x9d: {  	[timem:s7], [sflag:s22] =	dma.local [hbm:s5], s20  }
0x9e: {  	_ =	swait.ge [sflag:s22], s20  }
0x9f: {  	s4 =	ssub.s32 $0x0, s20;
	[sflag:s22] =	ssyncset.done $0x0  }
0xa0: {  	[sflag:s22] =	ssyncadd.s32 s4;
	_ =	sdelay $0x1  }
0xa1: {  	s23 =	simm.s32 $0x1B8B  }
0xa2: {  	_ =	swait.ge [sflag:s23], $0x1  }
0xa3: {  	[sflag:s23] =	ssyncset.done $0x0  }
0xa4: {  	s25 =	simm.s32 $0x1B8E;
	s24 =	sld [smem:$0x3FFE];
	[sflag:s23] =	ssyncadd.s32 $0xFFFFFFFF  }
0xa5: {  	s26 =	simm.s32 $execute0_lowered;
	[smem:$0x3FD2] =	sst s25  }
0xa6: {  	s5 =	sshll.u32 s26, $0x1;
	_ =	strace $0x80000049;
	[dreg:$0x1] =	wrdreg $0xFFFFFFFF  }
0xa7: {  	s28 =	simm.s32 $_size_execute0_lowered;
	s3 =	sadd.s32 s3, s5;
	[dreg:$0x0] =	wrdreg $0x0  }
0xa8: {  	s5 =	sshll.u32 s28, $0x1;
	[dreg:$0x2] =	wrdreg s3  }
0xa9: {  	[dreg:$0x3] =	wrdreg s5  }
0xaa: {  	[dreg:$0x4] =	wrdreg $0xC0  }
0xab: {  	_ =	task [dreg:s7], $0x5FFFF  }
0xac: {  	[dreg:$0x1] =	wrdreg $0xFFFFFFFF  }
0xad: {  	[dreg:$0x0] =	wrdreg $0x60  }
0xae: {  	[dreg:$0x2] =	wrdreg s2  }
0xaf: {  	[dreg:$0x3] =	wrdreg s24  }
0xb0: {  	[dreg:$0x4] =	wrdreg $0xA8000  }
0xb1: {  	[dreg:$0x5] =	wrdreg $0x9  }
0xb2: {  	_ =	task.clear_ibuf [dreg:s7], $0x6FFFF;
	_ =	strace $0x90000049  }
0xb3: {  	s29 =	simm.s32 $0x9;
	_ =	strace $0x8000004B  }
0xb4: {  	_ =	swait.ge [sflag:s29], $0x1  }
0xb5: {  	[sflag:s29] =	ssyncadd.s32 $0xFFFFFFFF  }
0xb6: {  	_ =	strace $0x9000004B  }
0xb7: {  	_ =	sfence  }
0xb8: {  	s30 =	sld [smem:$0x0];
	_ =	sdelay $0x2  }
0xb9: {  	s31 =	sshll.u32 s1, $0xD;
	s1 =	sshrl.u32 s1, $0x2  }
0xba: {  	s3 =	sand.u32 $0x4000, s31;
	s1 =	sadd.s32 s1, s30  }
0xbb: {  	s0 =	sor.u32 s3, s0;
	s1 =	sshll.u32 s1, $0x11  }
0xbc: {  	s0 =	sor.u32 s1, s0  }
0xbd: {  	s0 =	sadd.s32 $0x8F2B, s0  }
0xbe: {  	[sflag:s0] =	ssyncadd.remote.s32 $0x1  }
0xbf: {  	_ =	sfence.sel $0xFFFF  }
0xc0: {  	[dreg:$0x0] =	wrdreg $0xFFFFFFFF;
	(pc) =	sbr.abs _section_cstart, $3  }
0xc1: {  	[dreg:$0x1] =	wrdreg $0xFFFFFFFF  }
0xc2: {  	_ =	task.clear_ibuf [dreg:s7], $0x2FFFF;
	_ =	strace $0x9FFFFFFF  }
0xc3: {  	(tm) =	ssettm $0x7FFFFFFF  }
tec
execute0_lowered:
.L_overlay_start_1:
0x0: {  	(tag) =	ssettag $0x1  }
0x1: {  	s0 =	rddreg [dreg:$0x0]  }
0x2: {  	s1 =	rddreg [dreg:$0x1];
	s2 =	srdreg.scid  }
0x3: {  	s3 =	rddreg [dreg:$0x2];
	s11 =	stileid.u32  }
0x4: {  	s4 =	simm.s32 $0x0;
	s28 =	simm.s32 $0x6800;
	s7 =	smul.u32 $0x14000, s11  }
0x5: {  	s29 =	simm.s32 $0x0;
	s2 =	sand.u32 $0x1, s2;
	s9 =	smul.u32 $0x50000, s11  }
0x6: {  	[smem:$0x7FF] =	sst s4;
	s6 =	smul.u32 $0x140000, s2;
	s8 =	ssub.s32 $0x2, s2  }
0x7: {  	s5 =	sadd.s32 $0x11600, s1;
	_ =	strace $0x8000004A;
	s21 =	sshrl.u32 s8, $0x1  }
0x8: {  	s22 =	sshrl.u32 s9, $0x2;
	s9 =	smul.u32 $0x50000, s2;
	s6 =	sadd.s32 s7, s6  }
0x9: {  	s10 =	ssub.s32 s8, s21;
	s8 =	sadd.s32 s22, s3;
	s21 =	simm.s32 $0x2800  }
0xa: {  	s22 =	simm.s32 $0x5;
	s7 =	sshrl.u32 s6, $0x3;
	s23 =	smax.u32 s10, $0x1  }
0xb: {  	s6 =	sadd.s32 $0x7600, s1;
	s24 =	sadd.s32 $0x2000, s8;
	[dreg:$0x5] =	wrdreg s23  }
0xc: {  	s25 =	sadd.s32 $0x4000, s8;
	s26 =	sadd.s32 $0x6000, s8;
	[dreg:$0x6] =	wrdreg s24  }
0xd: {  	s30 =	sadd.s32 $0x8000, s8;
	s31 =	sadd.s32 $0xA000, s8;
	[dreg:$0x7] =	wrdreg s25  }
0xe: {  	s17 =	sadd.s32 $0xC000, s8;
	s18 =	sadd.s32 $0xE000, s8;
	[dreg:$0x8] =	wrdreg s26  }
0xf: {  	s19 =	sadd.s32 $0x10000, s8;
	s20 =	sadd.s32 $0x12000, s8;
	[dreg:$0x9] =	wrdreg s30  }
0x10: {  	s1 =	sadd.s32 s7, s1;
	s7 =	smul.u32 $0xA0, s11;
	[dreg:$0xa] =	wrdreg s31  }
0x11: {  	s23 =	simm.s32 $0x40;
	s24 =	simm.s32 $0x80;
	s1 =	sadd.s32 $0x25600, s1  }
0x12: {  	v0 =	vimm.f32 $0.0e+00;
	s25 =	simm.s32 $0x4800;
	s26 =	simm.s32 $0x100;
	[dreg:$0x4] =	wrdreg s1  }
.LBB2_1:
0x13: {  	s1 =	simm.s32 $0x0;
	s2 =	simm.s32 $0x200  }
.LBB2_2:
0x14: {  	p0 =	sne.s32 s2, $0x7E00;
	[tilespmem:s1+$0x2870] =	vst v0  }
0x15: {  	[tilespmem:s1+$0x2800] =	vst v0  }
0x16: {  	[tilespmem:s1+$0x2810] =	vst v0  }
.Ltmp0:
0x17: {  	[tilespmem:s1+$0x2820] =	vst v0;
	(pc) =	sbr.rel @p0 .LBB2_2-.Ltmp0, $4  }
0x18: {  	[tilespmem:s1+$0x2830] =	vst v0  }
0x19: {  	[tilespmem:s1+$0x2840] =	vst v0  }
0x1a: {  	[tilespmem:s1+$0x2850] =	vst v0  }
0x1b: {  	[tilespmem:s1+$0x2860] =	vst v0;
	s1 =	sshra.s32 s2, $0x2;
	s2 =	sadd.s32 $0x200, s2  }
0x1c: {  	[tilespmem:s1+$0x2870] =	vst v0  }
0x1d: {  	[tilespmem:s1+$0x2800] =	vst v0  }
0x1e: {  	[tilespmem:s1+$0x2810] =	vst v0  }
0x1f: {  	[tilespmem:s1+$0x2820] =	vst v0  }
0x20: {  	[tilespmem:s1+$0x2830] =	vst v0  }
0x21: {  	[tilespmem:s1+$0x2840] =	vst v0  }
0x22: {  	[tilespmem:s1+$0x2850] =	vst v0  }
0x23: {  	[tilespmem:s1+$0x2860] =	vst v0  }
0x24: {  	[spmem:s8] =	stream.linear.scatter [tilespmem:s21], [sflag:$0x5], $0x2000, $0x38;
	[tilespmem:$0x1E800] =	vst v63  }
0x25: {  	_ =	swait.ge [sflag:s22], $0x2000  }
0x26: {  	[sflag:s22] =	ssyncset.done $0x0  }
0x27: {  	s13 =	rddreg [dreg:$0x6];
	[sflag:s22] =	ssyncadd.s32 $0xFFFFE000  }
0x28: {  	[spmem:s13] =	stream.linear.scatter [tilespmem:s21], [sflag:$0x5], $0x2000, $0x38;
	[tilespmem:$0x1E800] =	vst v63  }
0x29: {  	_ =	swait.ge [sflag:s22], $0x2000  }
0x2a: {  	[sflag:s22] =	ssyncset.done $0x0  }
0x2b: {  	s14 =	rddreg [dreg:$0x7];
	[sflag:s22] =	ssyncadd.s32 $0xFFFFE000  }
0x2c: {  	[spmem:s14] =	stream.linear.scatter [tilespmem:s21], [sflag:$0x5], $0x2000, $0x38;
	[tilespmem:$0x1E800] =	vst v63  }
0x2d: {  	_ =	swait.ge [sflag:s22], $0x2000  }
0x2e: {  	[sflag:s22] =	ssyncset.done $0x0  }
0x2f: {  	s15 =	rddreg [dreg:$0x8];
	[sflag:s22] =	ssyncadd.s32 $0xFFFFE000  }
0x30: {  	[spmem:s15] =	stream.linear.scatter [tilespmem:s21], [sflag:$0x5], $0x2000, $0x38;
	[tilespmem:$0x1E800] =	vst v63  }
0x31: {  	_ =	swait.ge [sflag:s22], $0x2000  }
0x32: {  	[sflag:s22] =	ssyncset.done $0x0  }
0x33: {  	s16 =	rddreg [dreg:$0x9];
	[sflag:s22] =	ssyncadd.s32 $0xFFFFE000  }
0x34: {  	[spmem:s16] =	stream.linear.scatter [tilespmem:s21], [sflag:$0x5], $0x2000, $0x38;
	[tilespmem:$0x1E800] =	vst v63  }
0x35: {  	_ =	swait.ge [sflag:s22], $0x2000  }
0x36: {  	[sflag:s22] =	ssyncset.done $0x0  }
0x37: {  	s31 =	rddreg [dreg:$0xa];
	[sflag:s22] =	ssyncadd.s32 $0xFFFFE000  }
0x38: {  	[spmem:s31] =	stream.linear.scatter [tilespmem:s21], [sflag:$0x5], $0x2000, $0x38;
	[tilespmem:$0x1E800] =	vst v63  }
0x39: {  	_ =	swait.ge [sflag:s22], $0x2000  }
0x3a: {  	[sflag:s22] =	ssyncset.done $0x0  }
0x3b: {  	[sflag:s22] =	ssyncadd.s32 $0xFFFFE000  }
0x3c: {  	[spmem:s17] =	stream.linear.scatter [tilespmem:s21], [sflag:$0x5], $0x2000, $0x38;
	[tilespmem:$0x1E800] =	vst v63  }
0x3d: {  	_ =	swait.ge [sflag:s22], $0x2000  }
0x3e: {  	[sflag:s22] =	ssyncset.done $0x0  }
0x3f: {  	[sflag:s22] =	ssyncadd.s32 $0xFFFFE000  }
0x40: {  	[spmem:s18] =	stream.linear.scatter [tilespmem:s21], [sflag:$0x5], $0x2000, $0x38;
	[tilespmem:$0x1E800] =	vst v63  }
0x41: {  	_ =	swait.ge [sflag:s22], $0x2000  }
0x42: {  	[sflag:s22] =	ssyncset.done $0x0  }
0x43: {  	[sflag:s22] =	ssyncadd.s32 $0xFFFFE000  }
0x44: {  	[spmem:s19] =	stream.linear.scatter [tilespmem:s21], [sflag:$0x5], $0x2000, $0x38;
	[tilespmem:$0x1E800] =	vst v63  }
0x45: {  	_ =	swait.ge [sflag:s22], $0x2000  }
0x46: {  	[sflag:s22] =	ssyncset.done $0x0  }
0x47: {  	[sflag:s22] =	ssyncadd.s32 $0xFFFFE000  }
0x48: {  	[spmem:s20] =	stream.linear.scatter [tilespmem:s21], [sflag:$0x5], $0x2000, $0x38;
	[tilespmem:$0x1E800] =	vst v63  }
0x49: {  	_ =	swait.ge [sflag:s22], $0x2000  }
0x4a: {  	[sflag:s22] =	ssyncset.done $0x0  }
0x4b: {  	[sflag:s22] =	ssyncadd.s32 $0xFFFFE000  }
0x4c: {  	s30 =	simm.s32 $0x0;
	[bflag:$0x0] =	sbarrier.arrive $0xFFFF  }
.LBB2_4:
0x4d: {  	s1 =	smul.u32 $0x28, s30;
	_ =	sdelay $0x1  }
0x4e: {  	s1 =	sadd.s32 s7, s1  }
0x4f: {  	s2 =	sshll.u32 s1, $0x7  }
0x50: {  	s2 =	sadd.s32 s9, s2  }
0x51: {  	s2 =	sshrl.u32 s2, $0x3  }
0x52: {  	s2 =	sadd.s32 s5, s2  }
0x53: {  	[tilespmem:s4], [sflag:$0x5] =	stream.linear.gather [hbm4b:s2+s4], $0x1400, $0x38;
	[tilespmem:$0x1E800] =	vst v63  }
0x54: {  	_ =	swait.ge [sflag:s22], $0x1400  }
0x55: {  	s1 =	sshll.u32 s1, $0x4;
	[sflag:s22] =	ssyncset.done $0x0  }
0x56: {  	s10 =	simm.s32 $0x1400;
	s1 =	sadd.s32 s6, s1;
	[sflag:s22] =	ssyncadd.s32 $0xFFFFEC00  }
0x57: {  	[tilespmem:s10], [sflag:$0x5] =	stream.linear.gather [hbm4b:s1+s4], $0x1400, $0x38;
	[tilespmem:$0x1E800] =	vst v63  }
0x58: {  	_ =	swait.ge [sflag:s22], $0x1400  }
0x59: {  	p0 =	por $0x0, $0x0;
	[sflag:s22] =	ssyncset.done $0x0  }
0x5a: {  	s11 =	simm.s32 $0x0;
	s1 =	simm.s32 $0x3;
	[sflag:s22] =	ssyncadd.s32 $0xFFFFEC00  }
0x5b: {  	[tilespmem:s21], [sflag:$0x1] =	stream.indirect.gather [hbm4b:s0+s23], $0x80, s4, s23, $0xb8;
	[tilespmem:$0x1E800] =	vst v63  }
0x5c: {  	s11 =	sand.u32 $0x3, s11;
	s1 =	sand.u32 @!p0 $0x3, s1  }
0x5d: {  	[tilespmem:s25], [sflag:$0x2] =	stream.indirect.gather [hbm4b:s0+s23], $0x80, s24, s23, $0xb8;
	[tilespmem:$0x1E800] =	vst v63  }
0x5e: {  	s12 =	simm.s32 @!p0 $0x40;
	s13 =	sadd.s32 $0x1, s11;
	s31 =	sshll.u32 @!p0 s1, $0xD  }
0x5f: {  	[tilespmem:s28], [sflag:$0x3] =	stream.indirect.gather [hbm4b:s0+s23], $0x80, s26, s23, $0xb8;
	[tilespmem:$0x1E800] =	vst v63  }
0x60: {  	s2 =	simm.s32 $0x180;
	s1 =	sadd.s32 @!p0 $0x1, s1;
	s31 =	sadd.s32 @!p0 $0x2800, s31  }
0x61: {  	[tilespmem:s31], [sflag:s1] =	stream.indirect.gather @!p0 [hbm4b:s0+s12], $0x80, s2, s12, $0xb8;
	[tilespmem:$0x1E800] =	vst v63  }
0x62: {  	s11 =	sshll.u32 s11, $0xD;
	_ =	swait.ge [sflag:s13], $0x2000  }
0x63: {  	s16 =	simm.s32 $0x1;
	s11 =	sadd.s32 $0x2800, s11;
	[sflag:s13] =	ssyncset.done $0x0  }
0x64: {  	s1 =	simm.s32 $0x4;
	s2 =	simm.s32 $0x5;
	[sflag:s13] =	ssyncadd.s32 $0xFFFFE000  }
0x65: {  	[spmem:s3] =	stream.indirect.scatter.add.f32 [tilespmem:s11], [sflag:$0x5], $0x80, s10, s23, $0xb8;
	[tilespmem:$0x1E800] =	vst v63  }
0x66: {  	s31 =	simm.s32 $0x1480;
	p0 =	por $0x0, $0x0;
	_ =	swait.ge [sflag:s22], $0x2000  }
0x67: {  	s10 =	simm.s32 $0x200;
	s11 =	sand.u32 $0x3, s16;
	[sflag:s22] =	ssyncset.done $0x0  }
.LBB2_5:
0x68: {  	s12 =	sand.u32 @!p0 $0x3, s1;
	[sflag:s22] =	ssyncadd.s32 $0xFFFFE000  }
0x69: {  	s1 =	smov.u32 s2;
	s2 =	sadd.s32 $0x1, s2;
	s13 =	smov.u32 s31  }
0x6a: {  	p1 =	sne.s32 s2, $0x2B;
	s14 =	sshll.u32 @!p0 s12, $0xD;
	s12 =	sadd.s32 @!p0 $0x1, s12  }
0x6b: {  	s15 =	simm.s32 @!p0 $0x40;
	s16 =	sadd.s32 $0x1, s11;
	s14 =	sadd.s32 @!p0 $0x2800, s14  }
0x6c: {  	[tilespmem:s14], [sflag:s12] =	stream.indirect.gather @!p0 [hbm4b:s0+s15], $0x80, s10, s15, $0xb8;
	[tilespmem:$0x1E800] =	vst v63  }
0x6d: {  	_ =	swait.ge [sflag:s16], $0x2000  }
.Ltmp1:
0x6e: {  	s11 =	sshll.u32 s11, $0xD;
	[sflag:s16] =	ssyncset.done $0x0;
	(pc) =	sbr.rel @p1 .LBB2_5-.Ltmp1, $4  }
0x6f: {  	s31 =	sadd.s32 $0x80, s31;
	s11 =	sadd.s32 $0x2800, s11;
	[sflag:s16] =	ssyncadd.s32 $0xFFFFE000  }
0x70: {  	[spmem:s3] =	stream.indirect.scatter.add.f32 [tilespmem:s11], [sflag:$0x5], $0x80, s13, s23, $0xb8;
	[tilespmem:$0x1E800] =	vst v63  }
0x71: {  	s12 =	sadd.s32 $0xFFFFFFFD, s1;
	s10 =	sadd.s32 $0x80, s10;
	_ =	swait.ge [sflag:s22], $0x2000  }
0x72: {  	p0 =	sgt.u32 s12, $0x24;
	s11 =	sand.u32 $0x3, s12;
	[sflag:s22] =	ssyncset.done $0x0  }
0x73: {  	s1 =	sand.u32 @!p0 $0x3, s1  }
0x74: {  	[sflag:s22] =	ssyncadd.s32 $0xFFFFE000;
	s12 =	simm.s32 @!p0 $0x40;
	s2 =	sshll.u32 @!p0 s1, $0xD  }
0x75: {  	s13 =	sadd.s32 $0x1, s11;
	s1 =	sadd.s32 @!p0 $0x1, s1;
	s2 =	sadd.s32 @!p0 $0x2800, s2  }
0x76: {  	[tilespmem:s2], [sflag:s1] =	stream.indirect.gather @!p0 [hbm4b:s0+s12], $0x80, s10, s12, $0xb8;
	[tilespmem:$0x1E800] =	vst v63  }
0x77: {  	s30 =	sadd.s32 $0x1, s30;
	_ =	swait.ge [sflag:s13], $0x2000  }
0x78: {  	s16 =	sshll.u32 s11, $0xD;
	p0 =	sne.s32 s30, $0x4;
	[sflag:s13] =	ssyncset.done $0x0  }
.Ltmp2:
0x79: {  	s1 =	sadd.s32 $0x2800, s16;
	[sflag:s13] =	ssyncadd.s32 $0xFFFFE000;
	(pc) =	sbr.rel @p0 .LBB2_4-.Ltmp2, $4  }
0x7a: {  	[spmem:s3] =	stream.indirect.scatter.add.f32 [tilespmem:s1], [sflag:$0x5], $0x80, s31, s23, $0xb8;
	[tilespmem:$0x1E800] =	vst v63  }
0x7b: {  	_ =	swait.ge [sflag:s22], $0x2000  }
0x7c: {  	[sflag:s22] =	ssyncset.done $0x0  }
0x7d: {  	[sflag:s22] =	ssyncadd.s32 $0xFFFFE000  }
0x7e: {  	s1 =	stileid.u32  }
0x7f: {  	[bflag:$0x0] =	sbarrier.arrive $0xFFFF;
	s1 =	sshll.u32 s1, $0x6  }
0x80: {  	s2 =	sshrl.u32 s8, $0x3;
	s10 =	rddreg [dreg:$0x4];
	s1 =	sor.u32 $0x1C05, s1  }
0x81: {  	[hbm:s10], [sflag:s1] =	dma.local [spmem:s2], $0x2800  }
0x82: {  	_ =	swait.ge [sflag:s22], $0x2800  }
0x83: {  	s29 =	sadd.s32 $0x1, s29;
	s31 =	rddreg [dreg:$0x5]  }
0x84: {  	p0 =	sne.s32 s29, s31  }
.Ltmp3:
0x85: {  	_ = 	snop;
	(pc) =	sbr.rel @p0 .LBB2_1-.Ltmp3, $3  }
0x86: {  	_ =	sdelay $0x1  }
0x87: {  	[sflag:s22] =	ssyncset.done $0x0  }
0x88: {  	[sflag:s22] =	ssyncadd.s32 $0xFFFFD800  }
0x89: {  	_ =	sfence.sel $0x180000  }
0x8a: {  	[bflag:$0x0] =	sbarrier.arrive $0xFFFF  }
0x8b: {  	_ =	strace $0x9000004A  }
0x8c: {  	s0 =	stileid.u32;
	[bflag:$0x2] =	sbarrier.arrive $0xFFFF  }
0x8d: {  	p0 =	sne.s32 s0, $0x0;
	s0 =	rddreg [dreg:$0x3]  }
0x8e: {  	s0 =	sadd.s32 @!p0 $0x100000, s0  }
0x8f: {  	[sflag:s0] =	ssyncadd.tile.s32 @!p0 $0x1;
	_ =	shalt  }
.Lfunc_end2:
_tile_overlayer_lowered:
.L_overlay_start_2:
0x90: {  	(tag) =	ssettag $0x2  }
0x91: {  	s0 =	rddreg [dreg:$0x0];
	s2 =	stileid.u32  }
0x92: {  	s1 =	rddreg [dreg:$0x1];
	p0 =	sne.s32 s2, $0x0  }
0x93: {  	s3 =	rddreg [dreg:$0x2];
	[bflag:$0x3] =	sbarrier.arrive $0xFFFF;
	s2 =	simm.s32 @!p0 $0x1C05  }
0x94: {  	[timem:s3], [sflag:s2] =	dma.local @!p0 [hbm:s0], s1  }
0x95: {  	s0 =	simm.s32 @!p0 $0x5  }
0x96: {  	_ =	swait.ge @!p0 [sflag:s0], s1  }
0x97: {  	s1 =	ssub.s32 @!p0 $0x0, s1;
	[sflag:s0] =	ssyncset.done @!p0 $0x0  }
0x98: {  	[sflag:s0] =	ssyncadd.s32 @!p0 s1  }
0x99: {  	[bflag:$0x3] =	sbarrier.arrive $0xFFFF  }
0x9a: {  	_ =	shalt  }

</sc_bundles>
